<compile_context>
chip_gen: v7x
topology: tpu7x:2x2x1
jax: 0.10.2.dev20260603
libtpu: 0.0.44.dev20260713+nightly
codegen_flags: <defaults>
</compile_context>

<pallas_src>
import jax
import jax.numpy as jnp
from jax.experimental import pallas as pl
from jax.experimental.pallas import tpu as pltpu
from jax.experimental.pallas import tpu_sc as plsc

B, D_IN, H, L, K = 16384, 128, 256, 32, 8192
BM = 1024
NB = B // BM
KC = 2048
NC = K // KC
GW = 256


def _f32(c):
    return jnp.float32(c)


def _gelu(x):
    y = (-x) * _f32(0.707106769)
    ax = jnp.abs(y)
    z = y * y
    pa = z * _f32(7.85386146e-05) + _f32(-0.000801019371)
    pa = pa * z + _f32(0.00518832775)
    pa = pa * z + _f32(-0.0268538129)
    pa = pa * z + _f32(0.112835854)
    pa = pa * z + _f32(-0.37612626)
    pa = pa * z + _f32(1.12837911)
    res_a = _f32(1.0) - y * pa
    nz = -z
    e_exp = jnp.exp(nz)
    em = e_exp * (_f32(1.0) / ax)
    q = _f32(1.0) / z
    p1 = q * _f32(0.0232682) + _f32(-0.138703942)
    p1 = p1 * q + _f32(0.368742466)
    p1 = p1 * q + _f32(-0.582473278)
    p1 = p1 * q + _f32(0.621000469)
    p1 = p1 * q + _f32(-0.494451523)
    p1 = p1 * q + _f32(0.340488)
    p1 = p1 * q + _f32(-0.274112701)
    p1 = p1 * q + _f32(0.563825965)
    p2 = q * _f32(-10.477664) + _f32(12.9772)
    p2 = p2 * q + _f32(-7.49551868)
    p2 = p2 * q + _f32(2.92101908)
    p2 = p2 * q + _f32(-1.01526523)
    p2 = p2 * q + _f32(0.42184633)
    p2 = p2 * q + _f32(-0.282076746)
    p2 = p2 * q + _f32(0.564189494)
    t = em * jnp.where(ax < _f32(2.0), p1, p2)
    t = jnp.where(nz < _f32(-88.7228394), _f32(0.0), t)
    res_b = jnp.where(y < _f32(0.0), _f32(2.0) - t, t)
    erfc_y = jnp.where(ax < _f32(1.0), res_a, res_b)
    return (x * _f32(0.5)) * erfc_y


def _dot_bf(a, b):
    return jnp.dot(a.astype(jnp.bfloat16), b.astype(jnp.bfloat16),
                   preferred_element_type=jnp.float32)


def _rowsq_sum(v, axis):
    sq = v * v
    if axis == 1:
        a = ((sq[:, 0:8] + sq[:, 8:16]) + sq[:, 16:24]) + sq[:, 24:32]
        c = lambda i: a[:, i:i + 1]
    else:
        a = ((sq[0:8, :] + sq[8:16, :]) + sq[16:24, :]) + sq[24:32, :]
        c = lambda i: a[i:i + 1, :]
    return (((c(0) + c(4)) + (c(2) + c(6)))
            + ((c(1) + c(5)) + (c(3) + c(7))))


def _enc_body(x_ref, we1_ref, be1_ref, we2_ref, be2_ref, we3_ref, be3_ref,
              embt_ref, ze_ref, idx_ref):
    g1 = _gelu(_dot_bf(x_ref[...], we1_ref[...]) + be1_ref[...])
    g2 = _gelu(_dot_bf(g1, we2_ref[...]) + be2_ref[...])
    ze = _dot_bf(g2, we3_ref[...]) + be3_ref[...]
    ze_ref[...] = ze
    zsq = _rowsq_sum(ze, axis=1)
    zeb = ze.astype(jnp.bfloat16)

    tms, tis = [], []
    for t in range(NC):
        w = embt_ref[:, t * KC:(t + 1) * KC]
        esq = _f32(0.25) * _rowsq_sum(w, axis=0)
        dot2 = jnp.dot(zeb, w.astype(jnp.bfloat16),
                       preferred_element_type=jnp.float32)
        dist = (zsq + esq) + dot2
        tmin = jnp.min(dist, axis=1, keepdims=True)
        iota = jax.lax.broadcasted_iota(jnp.int32, (BM, KC), 1) + (t * KC)
        tidx = jnp.min(jnp.where(dist == tmin, iota, jnp.int32(K)),
                       axis=1, keepdims=True)
        tms.append(tmin)
        tis.append(tidx)
    a_take1 = tms[1] < tms[0]
    a_v = jnp.where(a_take1, tms[1], tms[0])
    a_i = jnp.where(a_take1, tis[1], tis[0])
    b_take1 = tms[3] < tms[2]
    b_v = jnp.where(b_take1, tms[3], tms[2])
    b_i = jnp.where(b_take1, tis[3], tis[2])
    take_b = b_v < a_v.astype(jnp.bfloat16).astype(jnp.float32)
    idx_ref[...] = jnp.where(take_b, b_i, a_i)


def _encode_argmin(x, we1, be1, we2, be2, we3, be3, embt):
    return pl.pallas_call(
        _enc_body,
        grid=(NB,),
        in_specs=[
            pl.BlockSpec((BM, D_IN), lambda i: (i, 0)),
            pl.BlockSpec((D_IN, H), lambda i: (0, 0)),
            pl.BlockSpec((1, H), lambda i: (0, 0)),
            pl.BlockSpec((H, H), lambda i: (0, 0)),
            pl.BlockSpec((1, H), lambda i: (0, 0)),
            pl.BlockSpec((H, L), lambda i: (0, 0)),
            pl.BlockSpec((1, L), lambda i: (0, 0)),
            pl.BlockSpec((L, K), lambda i: (0, 0)),
        ],
        out_specs=[
            pl.BlockSpec((BM, L), lambda i: (i, 0)),
            pl.BlockSpec((BM, 1), lambda i: (i, 0)),
        ],
        out_shape=[
            jax.ShapeDtypeStruct((B, L), jnp.float32),
            jax.ShapeDtypeStruct((B, 1), jnp.int32),
        ],
    )(x, we1, be1, we2, be2, we3, be3, embt)


def _sc_gather(embed_pad, idx2):
    mesh = plsc.VectorSubcoreMesh(core_axis_name="core",
                                  subcore_axis_name="subcore")

    @pl.kernel(out_type=jax.ShapeDtypeStruct((B, 128), jnp.float32), mesh=mesh)
    def gather_kernel(emb_hbm, i_hbm, o_hbm):
        def body(i_vmem, o_vmem):
            pltpu.sync_copy(emb_hbm.at[i_vmem.at[0]], o_vmem)

        pltpu.emit_pipeline(
            body,
            grid=(B // GW,),
            in_specs=[pl.BlockSpec((1, GW), index_map=lambda i: (0, i))],
            out_specs=[pl.BlockSpec((GW, 128), index_map=lambda i: (i, 0))],
            core_axis_name=("core", "subcore"),
            dimension_semantics=(pltpu.PARALLEL,),
        )(i_hbm, o_hbm)

    return gather_kernel(embed_pad, idx2)


def _dec_body(zq_ref, ze_ref, idx_in_ref, wd1_ref, bd1_ref, wd2_ref, bd2_ref,
              wd3_ref, bd3_ref, xr_ref, part_ref, idx_out_ref):
    zq = zq_ref[:, :L]
    d = _gelu(_dot_bf(zq, wd1_ref[...]) + bd1_ref[...])
    d = _gelu(_dot_bf(d, wd2_ref[...]) + bd2_ref[...])
    xr_ref[...] = _dot_bf(d, wd3_ref[...]) + bd3_ref[...]
    diff = ze_ref[...] - zq
    part_ref[...] = jnp.sum(diff * diff, axis=0, keepdims=True)[None]
    idx_out_ref[...] = idx_in_ref[...]


def _decode(zq, ze, idx2, wd1, bd1, wd2, bd2, wd3, bd3):
    return pl.pallas_call(
        _dec_body,
        grid=(NB,),
        in_specs=[
            pl.BlockSpec((BM, 128), lambda i: (i, 0)),
            pl.BlockSpec((BM, L), lambda i: (i, 0)),
            pl.BlockSpec((BM, 1), lambda i: (i, 0)),
            pl.BlockSpec((L, H), lambda i: (0, 0)),
            pl.BlockSpec((1, H), lambda i: (0, 0)),
            pl.BlockSpec((H, H), lambda i: (0, 0)),
            pl.BlockSpec((1, H), lambda i: (0, 0)),
            pl.BlockSpec((H, D_IN), lambda i: (0, 0)),
            pl.BlockSpec((1, D_IN), lambda i: (0, 0)),
        ],
        out_specs=[
            pl.BlockSpec((BM, D_IN), lambda i: (i, 0)),
            pl.BlockSpec((1, 1, L), lambda i: (i, 0, 0)),
            pl.BlockSpec((BM, 1), lambda i: (i, 0)),
        ],
        out_shape=[
            jax.ShapeDtypeStruct((B, D_IN), jnp.float32),
            jax.ShapeDtypeStruct((NB, 1, L), jnp.float32),
            jax.ShapeDtypeStruct((B, 1), jnp.int32),
        ],
    )(zq, ze, idx2, wd1, bd1, wd2, bd2, wd3, bd3)


def kernel(x, embed, W_e1, b_e1, W_e2, b_e2, W_e3, b_e3,
           W_d1, b_d1, W_d2, b_d2, W_d3, b_d3):
    embt = jnp.transpose(_f32(-2.0) * embed)
    ze, idx2 = _encode_argmin(
        x, W_e1, b_e1.reshape(1, H), W_e2, b_e2.reshape(1, H),
        W_e3, b_e3.reshape(1, L), embt)
    embed_pad = jnp.pad(embed, ((0, 0), (0, 128 - L)))
    zq = _sc_gather(embed_pad, idx2.reshape(1, B))
    x_recon, parts, idx_out = _decode(
        zq, ze, idx2, W_d1, b_d1.reshape(1, H), W_d2, b_d2.reshape(1, H),
        W_d3, b_d3.reshape(1, D_IN))
    vq_loss = jnp.sum(parts) * (1.25 / (B * L))
    return (x_recon, vq_loss, idx_out.reshape(B))

# --- scband reference (transcript-rebuilt; emitter-appended) ---
"""Pipeline reference for scband-standard-vq-13975823581590 (READ-ONLY COPY).

The authoritative reference and input builder live on the scoring server;
editing this copy changes nothing except your own understanding.
"""

import jax, jax.numpy as jnp
import numpy as np

B, D_IN, H, L, K = 16384, 128, 256, 32, 8192

def _linear_params(k, fan_in, fan_out):
    bound = 1.0 / np.sqrt(fan_in)
    kw, kb = jax.random.split(k)
    W = jax.random.uniform(kw, (fan_in, fan_out), minval=-bound, maxval=bound, dtype=jnp.float32)
    b = jax.random.uniform(kb, (fan_out,), minval=-bound, maxval=bound, dtype=jnp.float32)
    return W, b

def setup_inputs(seed: int = 0) -> dict:
    key = jax.random.key(seed)
    ks = jax.random.split(key, 8)
    inp = {}
    inp["x"] = jax.random.normal(ks[0], (B, D_IN), dtype=jnp.float32)
    inp["embed"] = jax.random.uniform(ks[1], (K, L), minval=-1.0 / K, maxval=1.0 / K, dtype=jnp.float32)
    inp["W_e1"], inp["b_e1"] = _linear_params(ks[2], D_IN, H)
    inp["W_e2"], inp["b_e2"] = _linear_params(ks[3], H, H)
    inp["W_e3"], inp["b_e3"] = _linear_params(ks[4], H, L)
    inp["W_d1"], inp["b_d1"] = _linear_params(ks[5], L, H)
    inp["W_d2"], inp["b_d2"] = _linear_params(ks[6], H, H)
    inp["W_d3"], inp["b_d3"] = _linear_params(ks[7], H, D_IN)
    return inp

def reference(x, embed, W_e1, b_e1, W_e2, b_e2, W_e3, b_e3, W_d1, b_d1, W_d2, b_d2, W_d3, b_d3):
    gelu = lambda t: jax.nn.gelu(t, approximate=False)
    # encoder MLP
    h = gelu(x @ W_e1 + b_e1)
    h = gelu(h @ W_e2 + b_e2)
    z_e = h @ W_e3 + b_e3
    # codebook distances + nearest-code lookup
    z_sq = jnp.sum(z_e ** 2, axis=1, keepdims=True)
    e_sq = jnp.sum(embed ** 2, axis=1)[None, :]
    dot = z_e @ embed.T
    dist = z_sq + e_sq - 2.0 * dot
    indices = jnp.argmin(dist, axis=1)
    z_q = jnp.take(embed, indices, axis=0)
    commitment = jnp.mean((z_e - jax.lax.stop_gradient(z_q)) ** 2)
    codebook = jnp.mean((z_q - jax.lax.stop_gradient(z_e)) ** 2)
    vq_loss = codebook + 0.25 * commitment
    # straight-through estimator
    z_st = z_e + jax.lax.stop_gradient(z_q - z_e)
    # decoder MLP
    d = gelu(z_st @ W_d1 + b_d1)
    d = gelu(d @ W_d2 + b_d2)
    x_recon = d @ W_d3 + b_d3
    return (x_recon, vq_loss, indices)

if __name__ == "__main__":
    import jax
    _d = setup_inputs()
    print(jax.jit(kernel)(*tuple(_d.values())))

</pallas_src>

<mosaic_0001>
#map = affine_map<(d0, d1) -> (0, 0)>
module attributes {stable_mosaic.version = 14 : i64} {
  func.func @gather_kernel(%arg0: i32, %arg1: i32, %arg2: memref<8192x128xf32, #tpu.memory_space<hbm>>, %arg3: memref<1x16384xi32, #tpu.memory_space<hbm>>, %arg4: memref<16384x128xf32, #tpu.memory_space<hbm>>) attributes {dimension_semantics = [#tpu.dimension_semantics<core_parallel>, #tpu.dimension_semantics<subcore_parallel>], iteration_bounds = array<i64: 2, 16>, scalar_prefetch = 0 : i64, scratch_operands = 0 : i64, tpu.core_type = #tpu.core_type<sc_vector_subcore>, window_params = [{transform_indices = #map}, {transform_indices = #map}, {transform_indices = #map}]} {
    %mul3A = arith.constant 1 : i32
    %mul3A_0 = arith.muli %arg1, %mul3A : i32
    %add3A = arith.constant 0 : i32
    %add3A_1 = arith.addi %add3A, %mul3A_0 : i32
    %mul3A_2 = arith.constant 16 : i32
    %mul3A_3 = arith.muli %arg0, %mul3A_2 : i32
    %add3A_4 = arith.addi %add3A_1, %mul3A_3 : i32
    %mul3A_5 = arith.constant 2 : i32
    %mul3A_6 = arith.muli %add3A_4, %mul3A_5 : i32
    "tpu.region"() ({
      %run_scoped3A = memref.alloca() : memref<2x1x256xi32, #tpu.memory_space<vmem>>
      %run_scoped3A_7 = tpu.sem_alloc : memref<2x!tpu.dma_semaphore, #tpu.memory_space<semaphore_mem>>
      %run_scoped3A_8 = memref.alloca() : memref<2x256x128xf32, #tpu.memory_space<vmem>>
      %run_scoped3A_9 = tpu.sem_alloc : memref<2x!tpu.dma_semaphore, #tpu.memory_space<semaphore_mem>>
      %add3A_10 = arith.constant 0 : i32
      %add3A_11 = arith.addi %add3A_10, %mul3A_6 : i32
      %select_n3A = arith.constant true
      %select_n3A_12 = arith.constant 0 : i32
      %select_n3A_13 = arith.constant -1 : i32
      %select_n3A_14 = arith.select %select_n3A, %select_n3A_13, %select_n3A_12 : i32
      %eq3A = arith.constant -1 : i32
      %eq3A_15 = arith.cmpi eq, %select_n3A_14, %eq3A : i32
      %select_n3A_16 = arith.constant 1 : i32
      %select_n3A_17 = arith.select %eq3A_15, %select_n3A_16, %select_n3A_14 : i32
      %add3A_18 = arith.addi %select_n3A_17, %mul3A_6 : i32
      %select_n3A_19 = arith.constant true
      %select_n3A_20 = arith.constant 0 : i32
      %select_n3A_21 = arith.constant 1 : i32
      %select_n3A_22 = arith.select %select_n3A_19, %select_n3A_21, %select_n3A_20 : i32
      %eq3A_23 = arith.constant 2 : i32
      %eq3A_24 = arith.cmpi eq, %select_n3A_22, %eq3A_23 : i32
      %select_n3A_25 = arith.constant 0 : i32
      %select_n3A_26 = arith.select %eq3A_24, %select_n3A_25, %select_n3A_22 : i32
      %add3A_27 = arith.addi %select_n3A_26, %mul3A_6 : i32
      %add3A_28 = arith.constant 1 : i32
      %add3A_29 = arith.addi %select_n3A_26, %add3A_28 : i32
      %select_n3A_30 = arith.constant true
      %select_n3A_31 = arith.select %select_n3A_30, %add3A_29, %select_n3A_26 : i32
      %eq3A_32 = arith.constant 2 : i32
      %eq3A_33 = arith.cmpi eq, %select_n3A_31, %eq3A_32 : i32
      %select_n3A_34 = arith.constant 0 : i32
      %select_n3A_35 = arith.select %eq3A_33, %select_n3A_34, %select_n3A_31 : i32
      %add3A_36 = arith.addi %select_n3A_35, %mul3A_6 : i32
      "tpu.trace_start"() <{level = 10 : i32, message = "ep_initialize_0"}> : () -> ()
      %rem3A = arith.constant 0 : i32
      %rem3A_37 = arith.constant 2 : i32
      %rem3A_38 = arith.remui %rem3A, %rem3A_37 : i32
      %mul3A_39 = arith.constant 256 : i32
      %mul3A_40 = arith.muli %mul3A_39, %add3A_11 : i32
      %dma_start3A = arith.constant 0 : i32
      %dma_start3A_41 = arith.constant 0 : i32
      %dma_start3A_42 = tpu.memref_slice %run_scoped3A[%rem3A_38, %dma_start3A, %dma_start3A_41] : memref<2x1x256xi32, #tpu.memory_space<vmem>> -> memref<1x1x256xi32, #tpu.memory_space<vmem>>
      %dma_start3A_43 = tpu.memref_squeeze %dma_start3A_42 : memref<1x1x256xi32, #tpu.memory_space<vmem>> -> memref<1x256xi32, #tpu.memory_space<vmem>>
      %dma_start3A_44 = arith.constant 0 : i32
      %dma_start3A_45 = tpu.memref_slice %arg3[%dma_start3A_44, %mul3A_40] : memref<1x16384xi32, #tpu.memory_space<hbm>> -> memref<1x256xi32, #tpu.memory_space<hbm>>
      %dma_start3A_46 = tpu.memref_slice %run_scoped3A_7[%rem3A_38] : memref<2x!tpu.dma_semaphore, #tpu.memory_space<semaphore_mem>> -> memref<1x!tpu.dma_semaphore, #tpu.memory_space<semaphore_mem>>
      %dma_start3A_47 = tpu.memref_squeeze %dma_start3A_46 : memref<1x!tpu.dma_semaphore, #tpu.memory_space<semaphore_mem>> -> memref<!tpu.dma_semaphore, #tpu.memory_space<semaphore_mem>>
      %dma_start3A_48 = arith.constant 0 : i32
      %dma_start3A_49 = arith.constant 0 : i32
      %dma_start3A_50 = tpu.memref_slice %run_scoped3A[%rem3A_38, %dma_start3A_48, %dma_start3A_49] : memref<2x1x256xi32, #tpu.memory_space<vmem>> -> memref<1x1x256xi32, #tpu.memory_space<vmem>>
      %dma_start3A_51 = tpu.memref_squeeze %dma_start3A_50 : memref<1x1x256xi32, #tpu.memory_space<vmem>> -> memref<1x256xi32, #tpu.memory_space<vmem>>
      %dma_start3A_52 = arith.constant 0 : i32
      %dma_start3A_53 = tpu.memref_slice %arg3[%dma_start3A_52, %mul3A_40] : memref<1x16384xi32, #tpu.memory_space<hbm>> -> memref<1x256xi32, #tpu.memory_space<hbm>>
      tpu.enqueue_dma source(%dma_start3A_53 : memref<1x256xi32, #tpu.memory_space<hbm>>) target(%dma_start3A_51 : memref<1x256xi32, #tpu.memory_space<vmem>>) target_semaphore(%dma_start3A_47 : memref<!tpu.dma_semaphore, #tpu.memory_space<semaphore_mem>>)
      %add3A_54 = arith.constant 0 : i32
      %add3A_55 = arith.constant 1 : i32
      %add3A_56 = arith.addi %add3A_54, %add3A_55 : i32
      %select_n3A_57 = arith.constant true
      %select_n3A_58 = arith.constant 0 : i32
      %select_n3A_59 = arith.select %select_n3A_57, %add3A_56, %select_n3A_58 : i32
      "tpu.trace_stop"() : () -> ()
      %scan3A = arith.constant 0 : i32
      %scan3A_60 = arith.constant 0 : i32
      %scan3A_61 = arith.constant 0 : i32
      %scan3A_62 = arith.constant 0 : i32
      %scan3A_63 = arith.constant 0 : i32
      %scan3A_64 = arith.constant 2 : i32
      %scan3A_65 = arith.addi %scan3A_63, %scan3A_64 : i32
      %scan3A_66 = arith.constant 1 : i32
      %scan3A_67:5 = scf.for %scan3A_121 = %scan3A_63 to %scan3A_65 step %scan3A_66 iter_args(%scan3A_122 = %select_n3A_59, %scan3A_123 = %scan3A, %scan3A_124 = %scan3A_60, %scan3A_125 = %scan3A_61, %scan3A_126 = %scan3A_62) -> (i32, i32, i32, i32, i32)  : i32 {
        %eq3A_127 = arith.constant 0 : i32
        %eq3A_128 = arith.cmpi eq, %scan3A_121, %eq3A_127 : i32
        %eq3A_129 = arith.constant 1 : i32
        %eq3A_130 = arith.cmpi eq, %scan3A_121, %eq3A_129 : i32
        %add3A_131 = arith.addi %scan3A_126, %mul3A_6 : i32
        %sub3A_132 = arith.constant 1 : i32
        %sub3A_133 = arith.subi %scan3A_126, %sub3A_132 : i32
        %select_n3A_134 = arith.constant true
        %select_n3A_135 = arith.select %select_n3A_134, %sub3A_133, %scan3A_126 : i32
        %eq3A_136 = arith.constant -1 : i32
        %eq3A_137 = arith.cmpi eq, %select_n3A_135, %eq3A_136 : i32
        %select_n3A_138 = arith.constant 1 : i32
        %select_n3A_139 = arith.select %eq3A_137, %select_n3A_138, %select_n3A_135 : i32
        %add3A_140 = arith.addi %select_n3A_139, %mul3A_6 : i32
        %add3A_141 = arith.constant 1 : i32
        %add3A_142 = arith.addi %scan3A_126, %add3A_141 : i32
        %select_n3A_143 = arith.constant true
        %select_n3A_144 = arith.select %select_n3A_143, %add3A_142, %scan3A_126 : i32
        %eq3A_145 = arith.constant 2 : i32
        %eq3A_146 = arith.cmpi eq, %select_n3A_144, %eq3A_145 : i32
        %select_n3A_147 = arith.constant 0 : i32
        %select_n3A_148 = arith.select %eq3A_146, %select_n3A_147, %select_n3A_144 : i32
        %add3A_149 = arith.addi %select_n3A_148, %mul3A_6 : i32
        %add3A_150 = arith.constant 1 : i32
        %add3A_151 = arith.addi %select_n3A_148, %add3A_150 : i32
        %select_n3A_152 = arith.constant true
        %select_n3A_153 = arith.select %select_n3A_152, %add3A_151, %select_n3A_148 : i32
        %eq3A_154 = arith.constant 2 : i32
        %eq3A_155 = arith.cmpi eq, %select_n3A_153, %eq3A_154 : i32
        %select_n3A_156 = arith.constant 0 : i32
        %select_n3A_157 = arith.select %eq3A_155, %select_n3A_156, %select_n3A_153 : i32
        %add3A_158 = arith.addi %select_n3A_157, %mul3A_6 : i32
        %ne3A = arith.cmpi ne, %add3A_131, %add3A_149 : i32
        %or3A = arith.constant false
        %or3A_159 = arith.ori %or3A, %ne3A : i1
        %ge3A = arith.constant 1 : i32
        %ge3A_160 = arith.cmpi sge, %scan3A_121, %ge3A : i32
        %not3A = arith.constant true
        %not3A_161 = arith.xori %ge3A_160, %not3A : i1
        %and3A = arith.andi %or3A_159, %not3A_161 : i1
        %convert_element_type3A = arith.extui %and3A : i1 to i32
        %cond3A = arith.constant 0 : i32
        %cond3A_162 = arith.cmpi ne, %convert_element_type3A, %cond3A : i32
        scf.if %cond3A_162 {
          "tpu.trace_start"() <{level = 10 : i32, message = "ep_copy_in"}> : () -> ()
          %rem3A_264 = arith.constant 2 : i32
          %rem3A_265 = arith.remui %scan3A_122, %rem3A_264 : i32
          %mul3A_266 = arith.constant 256 : i32
          %mul3A_267 = arith.muli %mul3A_266, %add3A_149 : i32
          %dma_start3A_268 = arith.constant 0 : i32
          %dma_start3A_269 = arith.constant 0 : i32
          %dma_start3A_270 = tpu.memref_slice %run_scoped3A[%rem3A_265, %dma_start3A_268, %dma_start3A_269] : memref<2x1x256xi32, #tpu.memory_space<vmem>> -> memref<1x1x256xi32, #tpu.memory_space<vmem>>
          %dma_start3A_271 = tpu.memref_squeeze %dma_start3A_270 : memref<1x1x256xi32, #tpu.memory_space<vmem>> -> memref<1x256xi32, #tpu.memory_space<vmem>>
          %dma_start3A_272 = arith.constant 0 : i32
          %dma_start3A_273 = tpu.memref_slice %arg3[%dma_start3A_272, %mul3A_267] : memref<1x16384xi32, #tpu.memory_space<hbm>> -> memref<1x256xi32, #tpu.memory_space<hbm>>
          %dma_start3A_274 = tpu.memref_slice %run_scoped3A_7[%rem3A_265] : memref<2x!tpu.dma_semaphore, #tpu.memory_space<semaphore_mem>> -> memref<1x!tpu.dma_semaphore, #tpu.memory_space<semaphore_mem>>
          %dma_start3A_275 = tpu.memref_squeeze %dma_start3A_274 : memref<1x!tpu.dma_semaphore, #tpu.memory_space<semaphore_mem>> -> memref<!tpu.dma_semaphore, #tpu.memory_space<semaphore_mem>>
          %dma_start3A_276 = arith.constant 0 : i32
          %dma_start3A_277 = arith.constant 0 : i32
          %dma_start3A_278 = tpu.memref_slice %run_scoped3A[%rem3A_265, %dma_start3A_276, %dma_start3A_277] : memref<2x1x256xi32, #tpu.memory_space<vmem>> -> memref<1x1x256xi32, #tpu.memory_space<vmem>>
          %dma_start3A_279 = tpu.memref_squeeze %dma_start3A_278 : memref<1x1x256xi32, #tpu.memory_space<vmem>> -> memref<1x256xi32, #tpu.memory_space<vmem>>
          %dma_start3A_280 = arith.constant 0 : i32
          %dma_start3A_281 = tpu.memref_slice %arg3[%dma_start3A_280, %mul3A_267] : memref<1x16384xi32, #tpu.memory_space<hbm>> -> memref<1x256xi32, #tpu.memory_space<hbm>>
          tpu.enqueue_dma source(%dma_start3A_281 : memref<1x256xi32, #tpu.memory_space<hbm>>) target(%dma_start3A_279 : memref<1x256xi32, #tpu.memory_space<vmem>>) target_semaphore(%dma_start3A_275 : memref<!tpu.dma_semaphore, #tpu.memory_space<semaphore_mem>>)
          "tpu.trace_stop"() : () -> ()
        } else {
        }
        %and3A_163 = arith.constant true
        %and3A_164 = arith.andi %and3A, %and3A_163 : i1
        %add3A_165 = arith.constant 1 : i32
        %add3A_166 = arith.addi %scan3A_122, %add3A_165 : i32
        %select_n3A_167 = arith.select %and3A_164, %add3A_166, %scan3A_122 : i32
        %ne3A_168 = arith.cmpi ne, %add3A_131, %add3A_149 : i32
        %or3A_169 = arith.constant false
        %or3A_170 = arith.ori %or3A_169, %ne3A_168 : i1
        %or3A_171 = arith.constant false
        %or3A_172 = arith.ori %or3A_170, %or3A_171 : i1
        %ge3A_173 = arith.constant 1 : i32
        %ge3A_174 = arith.cmpi sge, %scan3A_121, %ge3A_173 : i32
        %not3A_175 = arith.constant true
        %not3A_176 = arith.xori %ge3A_174, %not3A_175 : i1
        %and3A_177 = arith.andi %or3A_172, %not3A_176 : i1
        %ne3A_178 = arith.cmpi ne, %add3A_131, %add3A_140 : i32
        %or3A_179 = arith.constant false
        %or3A_180 = arith.ori %or3A_179, %ne3A_178 : i1
        %or3A_181 = arith.ori %or3A_180, %eq3A_128 : i1
        %convert_element_type3A_182 = arith.extui %or3A_181 : i1 to i32
        %cond3A_183 = arith.constant 0 : i32
        %cond3A_184 = arith.cmpi ne, %convert_element_type3A_182, %cond3A_183 : i32
        scf.if %cond3A_184 {
          "tpu.trace_start"() <{level = 10 : i32, message = "ep_wait_in"}> : () -> ()
          %mul3A_264 = arith.constant 256 : i32
          %mul3A_265 = arith.muli %mul3A_264, %add3A_131 : i32
          %rem3A_266 = arith.constant 2 : i32
          %rem3A_267 = arith.remui %scan3A_123, %rem3A_266 : i32
          %dma_wait3A_268 = arith.constant 0 : i32
          %dma_wait3A_269 = arith.constant 0 : i32
          %dma_wait3A_270 = tpu.memref_slice %run_scoped3A[%rem3A_267, %dma_wait3A_268, %dma_wait3A_269] : memref<2x1x256xi32, #tpu.memory_space<vmem>> -> memref<1x1x256xi32, #tpu.memory_space<vmem>>
          %dma_wait3A_271 = tpu.memref_squeeze %dma_wait3A_270 : memref<1x1x256xi32, #tpu.memory_space<vmem>> -> memref<1x256xi32, #tpu.memory_space<vmem>>
          %dma_wait3A_272 = arith.constant 0 : i32
          %dma_wait3A_273 = tpu.memref_slice %arg3[%dma_wait3A_272, %mul3A_265] : memref<1x16384xi32, #tpu.memory_space<hbm>> -> memref<1x256xi32, #tpu.memory_space<hbm>>
          %dma_wait3A_274 = tpu.memref_slice %run_scoped3A_7[%rem3A_267] : memref<2x!tpu.dma_semaphore, #tpu.memory_space<semaphore_mem>> -> memref<1x!tpu.dma_semaphore, #tpu.memory_space<semaphore_mem>>
          %dma_wait3A_275 = tpu.memref_squeeze %dma_wait3A_274 : memref<1x!tpu.dma_semaphore, #tpu.memory_space<semaphore_mem>> -> memref<!tpu.dma_semaphore, #tpu.memory_space<semaphore_mem>>
          %dma_wait3A_276 = arith.constant 0 : i32
          %dma_wait3A_277 = arith.constant 0 : i32
          %dma_wait3A_278 = tpu.memref_slice %run_scoped3A[%rem3A_267, %dma_wait3A_276, %dma_wait3A_277] : memref<2x1x256xi32, #tpu.memory_space<vmem>> -> memref<1x1x256xi32, #tpu.memory_space<vmem>>
          %dma_wait3A_279 = tpu.memref_squeeze %dma_wait3A_278 : memref<1x1x256xi32, #tpu.memory_space<vmem>> -> memref<1x256xi32, #tpu.memory_space<vmem>>
          %dma_wait3A_280 = arith.constant 0 : i32
          %dma_wait3A_281 = tpu.memref_slice %arg3[%dma_wait3A_280, %mul3A_265] : memref<1x16384xi32, #tpu.memory_space<hbm>> -> memref<1x256xi32, #tpu.memory_space<hbm>>
          tpu.wait_dma2 semaphore(%dma_wait3A_275 : memref<!tpu.dma_semaphore, #tpu.memory_space<semaphore_mem>>) src(%dma_wait3A_281 : memref<1x256xi32, #tpu.memory_space<hbm>>) dst(%dma_wait3A_279 : memref<1x256xi32, #tpu.memory_space<vmem>>)
          "tpu.trace_stop"() : () -> ()
        } else {
        }
        %ne3A_185 = arith.cmpi ne, %add3A_131, %add3A_140 : i32
        %or3A_186 = arith.constant false
        %or3A_187 = arith.ori %or3A_186, %ne3A_185 : i1
        %or3A_188 = arith.constant false
        %or3A_189 = arith.ori %or3A_187, %or3A_188 : i1
        %or3A_190 = arith.ori %or3A_189, %eq3A_128 : i1
        %convert_element_type3A_191 = arith.extui %or3A_190 : i1 to i32
        %cond3A_192 = arith.constant 0 : i32
        %cond3A_193 = arith.cmpi ne, %convert_element_type3A_191, %cond3A_192 : i32
        scf.if %cond3A_193 {
        } else {
        }
        %rem3A_194 = arith.constant 2 : i32
        %rem3A_195 = arith.remui %scan3A_123, %rem3A_194 : i32
        %rem3A_196 = arith.constant 2 : i32
        %rem3A_197 = arith.remui %scan3A_124, %rem3A_196 : i32
        %run_scoped3A_198 = arith.constant 0 : i32
        "tpu.trace_start"() <{level = 10 : i32, message = "ep_run_kernel"}> : () -> ()
        "tpu.region"() ({
          %run_scoped3A_264 = tpu.sem_alloc : memref<!tpu.dma_semaphore, #tpu.memory_space<semaphore_mem>>
          %dma_start3A_265 = arith.constant 0 : i32
          %dma_start3A_266 = arith.constant 0 : i32
          %dma_start3A_267 = tpu.memref_slice %run_scoped3A_8[%rem3A_197, %dma_start3A_265, %dma_start3A_266] : memref<2x256x128xf32, #tpu.memory_space<vmem>> -> memref<1x256x128xf32, #tpu.memory_space<vmem>>
          %dma_start3A_268 = tpu.memref_squeeze %dma_start3A_267 : memref<1x256x128xf32, #tpu.memory_space<vmem>> -> memref<256x128xf32, #tpu.memory_space<vmem>>
          %dma_start3A_269 = arith.constant 0 : i32
          %dma_start3A_270 = arith.constant 0 : i32
          %dma_start3A_271 = tpu.memref_slice %run_scoped3A[%rem3A_195, %dma_start3A_269, %dma_start3A_270] : memref<2x1x256xi32, #tpu.memory_space<vmem>> -> memref<1x1x256xi32, #tpu.memory_space<vmem>>
          %dma_start3A_272 = tpu.memref_squeeze %dma_start3A_271 : memref<1x1x256xi32, #tpu.memory_space<vmem>> -> memref<1x256xi32, #tpu.memory_space<vmem>>
          %dma_start3A_273 = arith.constant 0 : i32
          %dma_start3A_274 = tpu.memref_slice %dma_start3A_272[%run_scoped3A_198, %dma_start3A_273] : memref<1x256xi32, #tpu.memory_space<vmem>> -> memref<1x256xi32, #tpu.memory_space<vmem>>
          %dma_start3A_275 = tpu.memref_squeeze %dma_start3A_274 : memref<1x256xi32, #tpu.memory_space<vmem>> -> memref<256xi32, #tpu.memory_space<vmem>>
          %dma_start3A_276 = arith.constant 0 : i32
          %dma_start3A_277 = arith.constant 0 : i32
          %dma_start3A_278 = tpu.memref_slice %arg2[%dma_start3A_276, %dma_start3A_277] : memref<8192x128xf32, #tpu.memory_space<hbm>> -> memref<8192x128xf32, #tpu.memory_space<hbm>>
          tpu.enqueue_indirect_dma source(%dma_start3A_278 : memref<8192x128xf32, #tpu.memory_space<hbm>>) target(%dma_start3A_268 : memref<256x128xf32, #tpu.memory_space<vmem>>) offsets(%dma_start3A_275 : memref<256xi32, #tpu.memory_space<vmem>>) semaphore(%run_scoped3A_264 : memref<!tpu.dma_semaphore, #tpu.memory_space<semaphore_mem>>)
          %dma_wait3A_279 = arith.constant 0 : i32
          %dma_wait3A_280 = arith.constant 0 : i32
          %dma_wait3A_281 = tpu.memref_slice %run_scoped3A_8[%rem3A_197, %dma_wait3A_279, %dma_wait3A_280] : memref<2x256x128xf32, #tpu.memory_space<vmem>> -> memref<1x256x128xf32, #tpu.memory_space<vmem>>
          %dma_wait3A_282 = tpu.memref_squeeze %dma_wait3A_281 : memref<1x256x128xf32, #tpu.memory_space<vmem>> -> memref<256x128xf32, #tpu.memory_space<vmem>>
          %dma_wait3A_283 = arith.constant 0 : i32
          %dma_wait3A_284 = arith.constant 0 : i32
          %dma_wait3A_285 = tpu.memref_slice %run_scoped3A[%rem3A_195, %dma_wait3A_283, %dma_wait3A_284] : memref<2x1x256xi32, #tpu.memory_space<vmem>> -> memref<1x1x256xi32, #tpu.memory_space<vmem>>
          %dma_wait3A_286 = tpu.memref_squeeze %dma_wait3A_285 : memref<1x1x256xi32, #tpu.memory_space<vmem>> -> memref<1x256xi32, #tpu.memory_space<vmem>>
          %dma_wait3A_287 = arith.constant 0 : i32
          %dma_wait3A_288 = tpu.memref_slice %dma_wait3A_286[%run_scoped3A_198, %dma_wait3A_287] : memref<1x256xi32, #tpu.memory_space<vmem>> -> memref<1x256xi32, #tpu.memory_space<vmem>>
          %dma_wait3A_289 = tpu.memref_squeeze %dma_wait3A_288 : memref<1x256xi32, #tpu.memory_space<vmem>> -> memref<256xi32, #tpu.memory_space<vmem>>
          %dma_wait3A_290 = arith.constant 0 : i32
          %dma_wait3A_291 = arith.constant 0 : i32
          %dma_wait3A_292 = tpu.memref_slice %arg2[%dma_wait3A_290, %dma_wait3A_291] : memref<8192x128xf32, #tpu.memory_space<hbm>> -> memref<8192x128xf32, #tpu.memory_space<hbm>>
          tpu.wait_indirect_dma semaphore(%run_scoped3A_264 : memref<!tpu.dma_semaphore, #tpu.memory_space<semaphore_mem>>) src(%dma_wait3A_292 : memref<8192x128xf32, #tpu.memory_space<hbm>>) dst(%dma_wait3A_282 : memref<256x128xf32, #tpu.memory_space<vmem>>)
          tpu.yield
        }) : () -> ()
        "tpu.trace_stop"() : () -> ()
        %ne3A_199 = arith.cmpi ne, %add3A_131, %add3A_149 : i32
        %or3A_200 = arith.constant false
        %or3A_201 = arith.ori %or3A_200, %ne3A_199 : i1
        %or3A_202 = arith.ori %or3A_201, %eq3A_130 : i1
        %convert_element_type3A_203 = arith.extui %or3A_202 : i1 to i32
        %cond3A_204 = arith.constant 0 : i32
        %cond3A_205 = arith.cmpi ne, %convert_element_type3A_203, %cond3A_204 : i32
        scf.if %cond3A_205 {
        } else {
        }
        %and3A_206 = arith.constant false
        %and3A_207 = arith.andi %or3A_202, %and3A_206 : i1
        %ne3A_208 = arith.cmpi ne, %add3A_131, %add3A_149 : i32
        %or3A_209 = arith.constant false
        %or3A_210 = arith.ori %or3A_209, %ne3A_208 : i1
        %or3A_211 = arith.constant false
        %or3A_212 = arith.ori %or3A_210, %or3A_211 : i1
        %or3A_213 = arith.ori %or3A_212, %eq3A_130 : i1
        %convert_element_type3A_214 = arith.extui %or3A_213 : i1 to i32
        %cond3A_215 = arith.constant 0 : i32
        %cond3A_216 = arith.cmpi ne, %convert_element_type3A_214, %cond3A_215 : i32
        scf.if %cond3A_216 {
          "tpu.trace_start"() <{level = 10 : i32, message = "ep_copy_out"}> : () -> ()
          %rem3A_264 = arith.constant 2 : i32
          %rem3A_265 = arith.remui %scan3A_124, %rem3A_264 : i32
          %mul3A_266 = arith.constant 256 : i32
          %mul3A_267 = arith.muli %mul3A_266, %add3A_131 : i32
          %dma_start3A_268 = arith.constant 0 : i32
          %dma_start3A_269 = arith.constant 0 : i32
          %dma_start3A_270 = tpu.memref_slice %run_scoped3A_8[%rem3A_265, %dma_start3A_268, %dma_start3A_269] : memref<2x256x128xf32, #tpu.memory_space<vmem>> -> memref<1x256x128xf32, #tpu.memory_space<vmem>>
          %dma_start3A_271 = tpu.memref_squeeze %dma_start3A_270 : memref<1x256x128xf32, #tpu.memory_space<vmem>> -> memref<256x128xf32, #tpu.memory_space<vmem>>
          %dma_start3A_272 = arith.constant 0 : i32
          %dma_start3A_273 = tpu.memref_slice %arg4[%mul3A_267, %dma_start3A_272] : memref<16384x128xf32, #tpu.memory_space<hbm>> -> memref<256x128xf32, #tpu.memory_space<hbm>>
          %dma_start3A_274 = tpu.memref_slice %run_scoped3A_9[%rem3A_265] : memref<2x!tpu.dma_semaphore, #tpu.memory_space<semaphore_mem>> -> memref<1x!tpu.dma_semaphore, #tpu.memory_space<semaphore_mem>>
          %dma_start3A_275 = tpu.memref_squeeze %dma_start3A_274 : memref<1x!tpu.dma_semaphore, #tpu.memory_space<semaphore_mem>> -> memref<!tpu.dma_semaphore, #tpu.memory_space<semaphore_mem>>
          %dma_start3A_276 = arith.constant 0 : i32
          %dma_start3A_277 = tpu.memref_slice %arg4[%mul3A_267, %dma_start3A_276] : memref<16384x128xf32, #tpu.memory_space<hbm>> -> memref<256x128xf32, #tpu.memory_space<hbm>>
          %dma_start3A_278 = arith.constant 0 : i32
          %dma_start3A_279 = arith.constant 0 : i32
          %dma_start3A_280 = tpu.memref_slice %run_scoped3A_8[%rem3A_265, %dma_start3A_278, %dma_start3A_279] : memref<2x256x128xf32, #tpu.memory_space<vmem>> -> memref<1x256x128xf32, #tpu.memory_space<vmem>>
          %dma_start3A_281 = tpu.memref_squeeze %dma_start3A_280 : memref<1x256x128xf32, #tpu.memory_space<vmem>> -> memref<256x128xf32, #tpu.memory_space<vmem>>
          tpu.enqueue_dma source(%dma_start3A_281 : memref<256x128xf32, #tpu.memory_space<vmem>>) target(%dma_start3A_277 : memref<256x128xf32, #tpu.memory_space<hbm>>) target_semaphore(%dma_start3A_275 : memref<!tpu.dma_semaphore, #tpu.memory_space<semaphore_mem>>)
          "tpu.trace_stop"() : () -> ()
        } else {
        }
        %and3A_217 = arith.constant true
        %and3A_218 = arith.andi %or3A_213, %and3A_217 : i1
        %add3A_219 = arith.constant 1 : i32
        %add3A_220 = arith.addi %scan3A_124, %add3A_219 : i32
        %select_n3A_221 = arith.select %and3A_218, %add3A_220, %scan3A_124 : i32
        %ne3A_222 = arith.cmpi ne, %add3A_131, %add3A_140 : i32
        %or3A_223 = arith.constant false
        %or3A_224 = arith.ori %or3A_223, %ne3A_222 : i1
        %not3A_225 = arith.constant true
        %not3A_226 = arith.xori %eq3A_128, %not3A_225 : i1
        %and3A_227 = arith.andi %or3A_224, %not3A_226 : i1
        %convert_element_type3A_228 = arith.extui %and3A_227 : i1 to i32
        %cond3A_229 = arith.constant 0 : i32
        %cond3A_230 = arith.cmpi ne, %convert_element_type3A_228, %cond3A_229 : i32
        scf.if %cond3A_230 {
        } else {
        }
        %and3A_231 = arith.constant false
        %and3A_232 = arith.andi %and3A_227, %and3A_231 : i1
        %ne3A_233 = arith.cmpi ne, %add3A_131, %add3A_140 : i32
        %or3A_234 = arith.constant false
        %or3A_235 = arith.ori %or3A_234, %ne3A_233 : i1
        %or3A_236 = arith.constant false
        %or3A_237 = arith.ori %or3A_235, %or3A_236 : i1
        %not3A_238 = arith.constant true
        %not3A_239 = arith.xori %eq3A_128, %not3A_238 : i1
        %and3A_240 = arith.andi %or3A_237, %not3A_239 : i1
        %convert_element_type3A_241 = arith.extui %and3A_240 : i1 to i32
        %cond3A_242 = arith.constant 0 : i32
        %cond3A_243 = arith.cmpi ne, %convert_element_type3A_241, %cond3A_242 : i32
        scf.if %cond3A_243 {
          "tpu.trace_start"() <{level = 10 : i32, message = "ep_wait_out"}> : () -> ()
          %rem3A_264 = arith.constant 2 : i32
          %rem3A_265 = arith.remui %scan3A_125, %rem3A_264 : i32
          %mul3A_266 = arith.constant 256 : i32
          %mul3A_267 = arith.muli %mul3A_266, %add3A_140 : i32
          %dma_wait3A_268 = arith.constant 0 : i32
          %dma_wait3A_269 = arith.constant 0 : i32
          %dma_wait3A_270 = tpu.memref_slice %run_scoped3A_8[%rem3A_265, %dma_wait3A_268, %dma_wait3A_269] : memref<2x256x128xf32, #tpu.memory_space<vmem>> -> memref<1x256x128xf32, #tpu.memory_space<vmem>>
          %dma_wait3A_271 = tpu.memref_squeeze %dma_wait3A_270 : memref<1x256x128xf32, #tpu.memory_space<vmem>> -> memref<256x128xf32, #tpu.memory_space<vmem>>
          %dma_wait3A_272 = arith.constant 0 : i32
          %dma_wait3A_273 = tpu.memref_slice %arg4[%mul3A_267, %dma_wait3A_272] : memref<16384x128xf32, #tpu.memory_space<hbm>> -> memref<256x128xf32, #tpu.memory_space<hbm>>
          %dma_wait3A_274 = tpu.memref_slice %run_scoped3A_9[%rem3A_265] : memref<2x!tpu.dma_semaphore, #tpu.memory_space<semaphore_mem>> -> memref<1x!tpu.dma_semaphore, #tpu.memory_space<semaphore_mem>>
          %dma_wait3A_275 = tpu.memref_squeeze %dma_wait3A_274 : memref<1x!tpu.dma_semaphore, #tpu.memory_space<semaphore_mem>> -> memref<!tpu.dma_semaphore, #tpu.memory_space<semaphore_mem>>
          %dma_wait3A_276 = arith.constant 0 : i32
          %dma_wait3A_277 = tpu.memref_slice %arg4[%mul3A_267, %dma_wait3A_276] : memref<16384x128xf32, #tpu.memory_space<hbm>> -> memref<256x128xf32, #tpu.memory_space<hbm>>
          %dma_wait3A_278 = arith.constant 0 : i32
          %dma_wait3A_279 = arith.constant 0 : i32
          %dma_wait3A_280 = tpu.memref_slice %run_scoped3A_8[%rem3A_265, %dma_wait3A_278, %dma_wait3A_279] : memref<2x256x128xf32, #tpu.memory_space<vmem>> -> memref<1x256x128xf32, #tpu.memory_space<vmem>>
          %dma_wait3A_281 = tpu.memref_squeeze %dma_wait3A_280 : memref<1x256x128xf32, #tpu.memory_space<vmem>> -> memref<256x128xf32, #tpu.memory_space<vmem>>
          tpu.wait_dma2 semaphore(%dma_wait3A_275 : memref<!tpu.dma_semaphore, #tpu.memory_space<semaphore_mem>>) src(%dma_wait3A_281 : memref<256x128xf32, #tpu.memory_space<vmem>>) dst(%dma_wait3A_277 : memref<256x128xf32, #tpu.memory_space<hbm>>)
          "tpu.trace_stop"() : () -> ()
        } else {
        }
        %and3A_244 = arith.constant true
        %and3A_245 = arith.andi %and3A_240, %and3A_244 : i1
        %add3A_246 = arith.constant 1 : i32
        %add3A_247 = arith.addi %scan3A_125, %add3A_246 : i32
        %select_n3A_248 = arith.select %and3A_245, %add3A_247, %scan3A_125 : i32
        %ne3A_249 = arith.cmpi ne, %add3A_131, %add3A_149 : i32
        %or3A_250 = arith.constant false
        %or3A_251 = arith.ori %or3A_250, %ne3A_249 : i1
        %or3A_252 = arith.ori %or3A_251, %eq3A_130 : i1
        %add3A_253 = arith.constant 1 : i32
        %add3A_254 = arith.addi %scan3A_123, %add3A_253 : i32
        %select_n3A_255 = arith.select %or3A_252, %add3A_254, %scan3A_123 : i32
        %add3A_256 = arith.constant 1 : i32
        %add3A_257 = arith.addi %scan3A_126, %add3A_256 : i32
        %select_n3A_258 = arith.constant true
        %select_n3A_259 = arith.select %select_n3A_258, %add3A_257, %scan3A_126 : i32
        %eq3A_260 = arith.constant 2 : i32
        %eq3A_261 = arith.cmpi eq, %select_n3A_259, %eq3A_260 : i32
        %select_n3A_262 = arith.constant 0 : i32
        %select_n3A_263 = arith.select %eq3A_261, %select_n3A_262, %select_n3A_259 : i32
        scf.yield %select_n3A_167, %select_n3A_255, %select_n3A_221, %select_n3A_248, %select_n3A_263 : i32, i32, i32, i32, i32
      }
      %scan3A_68 = arith.constant 2 : i32
      %sub3A = arith.constant 1 : i32
      %sub3A_69 = arith.subi %scan3A_67#4, %sub3A : i32
      %select_n3A_70 = arith.constant true
      %select_n3A_71 = arith.select %select_n3A_70, %sub3A_69, %scan3A_67#4 : i32
      %eq3A_72 = arith.constant -1 : i32
      %eq3A_73 = arith.cmpi eq, %select_n3A_71, %eq3A_72 : i32
      %select_n3A_74 = arith.constant 1 : i32
      %select_n3A_75 = arith.select %eq3A_73, %select_n3A_74, %select_n3A_71 : i32
      %add3A_76 = arith.addi %select_n3A_75, %mul3A_6 : i32
      %sub3A_77 = arith.constant 1 : i32
      %sub3A_78 = arith.subi %select_n3A_75, %sub3A_77 : i32
      %select_n3A_79 = arith.constant true
      %select_n3A_80 = arith.select %select_n3A_79, %sub3A_78, %select_n3A_75 : i32
      %eq3A_81 = arith.constant -1 : i32
      %eq3A_82 = arith.cmpi eq, %select_n3A_80, %eq3A_81 : i32
      %select_n3A_83 = arith.constant 1 : i32
      %select_n3A_84 = arith.select %eq3A_82, %select_n3A_83, %select_n3A_80 : i32
      %add3A_85 = arith.addi %select_n3A_84, %mul3A_6 : i32
      %add3A_86 = arith.constant 1 : i32
      %add3A_87 = arith.addi %select_n3A_75, %add3A_86 : i32
      %select_n3A_88 = arith.constant true
      %select_n3A_89 = arith.select %select_n3A_88, %add3A_87, %select_n3A_75 : i32
      %eq3A_90 = arith.constant 2 : i32
      %eq3A_91 = arith.cmpi eq, %select_n3A_89, %eq3A_90 : i32
      %select_n3A_92 = arith.constant 0 : i32
      %select_n3A_93 = arith.select %eq3A_91, %select_n3A_92, %select_n3A_89 : i32
      %add3A_94 = arith.addi %select_n3A_93, %mul3A_6 : i32
      %add3A_95 = arith.constant 1 : i32
      %add3A_96 = arith.addi %select_n3A_93, %add3A_95 : i32
      %select_n3A_97 = arith.constant true
      %select_n3A_98 = arith.select %select_n3A_97, %add3A_96, %select_n3A_93 : i32
      %eq3A_99 = arith.constant 2 : i32
      %eq3A_100 = arith.cmpi eq, %select_n3A_98, %eq3A_99 : i32
      %select_n3A_101 = arith.constant 0 : i32
      %select_n3A_102 = arith.select %eq3A_100, %select_n3A_101, %select_n3A_98 : i32
      %add3A_103 = arith.addi %select_n3A_102, %mul3A_6 : i32
      "tpu.trace_start"() <{level = 10 : i32, message = "ep_finalize"}> : () -> ()
      %rem3A_104 = arith.constant 2 : i32
      %rem3A_105 = arith.remui %scan3A_67#3, %rem3A_104 : i32
      %mul3A_106 = arith.constant 256 : i32
      %mul3A_107 = arith.muli %mul3A_106, %add3A_76 : i32
      %dma_wait3A = arith.constant 0 : i32
      %dma_wait3A_108 = arith.constant 0 : i32
      %dma_wait3A_109 = tpu.memref_slice %run_scoped3A_8[%rem3A_105, %dma_wait3A, %dma_wait3A_108] : memref<2x256x128xf32, #tpu.memory_space<vmem>> -> memref<1x256x128xf32, #tpu.memory_space<vmem>>
      %dma_wait3A_110 = tpu.memref_squeeze %dma_wait3A_109 : memref<1x256x128xf32, #tpu.memory_space<vmem>> -> memref<256x128xf32, #tpu.memory_space<vmem>>
      %dma_wait3A_111 = arith.constant 0 : i32
      %dma_wait3A_112 = tpu.memref_slice %arg4[%mul3A_107, %dma_wait3A_111] : memref<16384x128xf32, #tpu.memory_space<hbm>> -> memref<256x128xf32, #tpu.memory_space<hbm>>
      %dma_wait3A_113 = tpu.memref_slice %run_scoped3A_9[%rem3A_105] : memref<2x!tpu.dma_semaphore, #tpu.memory_space<semaphore_mem>> -> memref<1x!tpu.dma_semaphore, #tpu.memory_space<semaphore_mem>>
      %dma_wait3A_114 = tpu.memref_squeeze %dma_wait3A_113 : memref<1x!tpu.dma_semaphore, #tpu.memory_space<semaphore_mem>> -> memref<!tpu.dma_semaphore, #tpu.memory_space<semaphore_mem>>
      %dma_wait3A_115 = arith.constant 0 : i32
      %dma_wait3A_116 = tpu.memref_slice %arg4[%mul3A_107, %dma_wait3A_115] : memref<16384x128xf32, #tpu.memory_space<hbm>> -> memref<256x128xf32, #tpu.memory_space<hbm>>
      %dma_wait3A_117 = arith.constant 0 : i32
      %dma_wait3A_118 = arith.constant 0 : i32
      %dma_wait3A_119 = tpu.memref_slice %run_scoped3A_8[%rem3A_105, %dma_wait3A_117, %dma_wait3A_118] : memref<2x256x128xf32, #tpu.memory_space<vmem>> -> memref<1x256x128xf32, #tpu.memory_space<vmem>>
      %dma_wait3A_120 = tpu.memref_squeeze %dma_wait3A_119 : memref<1x256x128xf32, #tpu.memory_space<vmem>> -> memref<256x128xf32, #tpu.memory_space<vmem>>
      tpu.wait_dma2 semaphore(%dma_wait3A_114 : memref<!tpu.dma_semaphore, #tpu.memory_space<semaphore_mem>>) src(%dma_wait3A_120 : memref<256x128xf32, #tpu.memory_space<vmem>>) dst(%dma_wait3A_116 : memref<256x128xf32, #tpu.memory_space<hbm>>)
      "tpu.trace_stop"() : () -> ()
      tpu.yield
    }) : () -> ()
    return
  }
}

module attributes {stable_mosaic.version = 14 : i64} {
  func.func @_enc_body(%arg0: i32, %arg1: memref<1024x128xf32, #tpu.memory_space<vmem>>, %arg2: memref<128x256xf32, #tpu.memory_space<vmem>>, %arg3: memref<1x256xf32, #tpu.memory_space<vmem>>, %arg4: memref<256x256xf32, #tpu.memory_space<vmem>>, %arg5: memref<1x256xf32, #tpu.memory_space<vmem>>, %arg6: memref<256x32xf32, #tpu.memory_space<vmem>>, %arg7: memref<1x32xf32, #tpu.memory_space<vmem>>, %arg8: memref<32x8192xf32, #tpu.memory_space<vmem>>, %arg9: memref<1024x32xf32, #tpu.memory_space<vmem>>, %arg10: memref<1024x1xi32, #tpu.memory_space<vmem>>) attributes {dimension_semantics = [#tpu.dimension_semantics<arbitrary>], iteration_bounds = array<i64: 16>, scalar_prefetch = 0 : i64, scratch_operands = 0 : i64, tpu.core_type = #tpu.core_type<tc>, window_params = [{transform_indices = @transform_0, window_bounds = array<i64: 1024, 128>}, {pipeline_mode = #tpu.pipeline_mode<synchronous>, transform_indices = @transform_1, window_bounds = array<i64: 128, 256>}, {pipeline_mode = #tpu.pipeline_mode<synchronous>, transform_indices = @transform_2, window_bounds = array<i64: 1, 256>}, {pipeline_mode = #tpu.pipeline_mode<synchronous>, transform_indices = @transform_3, window_bounds = array<i64: 256, 256>}, {pipeline_mode = #tpu.pipeline_mode<synchronous>, transform_indices = @transform_4, window_bounds = array<i64: 1, 256>}, {pipeline_mode = #tpu.pipeline_mode<synchronous>, transform_indices = @transform_5, window_bounds = array<i64: 256, 32>}, {pipeline_mode = #tpu.pipeline_mode<synchronous>, transform_indices = @transform_6, window_bounds = array<i64: 1, 32>}, {pipeline_mode = #tpu.pipeline_mode<synchronous>, transform_indices = @transform_7, window_bounds = array<i64: 32, 8192>}, {transform_indices = @transform_8, window_bounds = array<i64: 1024, 32>}, {transform_indices = @transform_9, window_bounds = array<i64: 1024, 1>}]} {
    %get3A = arith.constant 0 : index
    %get3A_0 = arith.constant 0 : index
    %get3A_1 = vector.load %arg1[%get3A, %get3A_0] : memref<1024x128xf32, #tpu.memory_space<vmem>>, vector<1024x128xf32>
    %get3A_2 = arith.constant 0 : index
    %get3A_3 = arith.constant 0 : index
    %get3A_4 = vector.load %arg2[%get3A_2, %get3A_3] : memref<128x256xf32, #tpu.memory_space<vmem>>, vector<128x256xf32>
    %convert_element_type3A = arith.truncf %get3A_1 : vector<1024x128xf32> to vector<1024x128xbf16>
    %convert_element_type3A_5 = arith.truncf %get3A_4 : vector<128x256xf32> to vector<128x256xbf16>
    %dot_general3A = arith.constant dense<0.000000e+00> : vector<1024x256xf32>
    %dot_general3A_6 = tpu.matmul %convert_element_type3A, %convert_element_type3A_5, %dot_general3A {dimension_numbers = #tpu.dot_dimension_numbers<[1], [0], [0], [1], [0, 0, 1, 1], [], []>, transpose_lhs_hint = false} : vector<1024x128xbf16>, vector<128x256xbf16>, vector<1024x256xf32> -> vector<1024x256xf32>
    %get3A_7 = arith.constant 0 : index
    %get3A_8 = arith.constant 0 : index
    %get3A_9 = vector.load %arg3[%get3A_7, %get3A_8] : memref<1x256xf32, #tpu.memory_space<vmem>>, vector<1x256xf32>
    %add3A = vector.broadcast %get3A_9 : vector<1x256xf32> to vector<1024x256xf32>
    %add3A_10 = arith.addf %dot_general3A_6, %add3A : vector<1024x256xf32>
    %neg3A = arith.constant 0.000000e+00 : f32
    %neg3A_11 = vector.broadcast %neg3A : f32 to vector<1024x256xf32>
    %neg3A_12 = arith.subf %neg3A_11, %add3A_10 : vector<1024x256xf32>
    %mul3A = arith.constant 0.707106769 : f32
    %mul3A_13 = vector.broadcast %mul3A : f32 to vector<1024x256xf32>
    %mul3A_14 = arith.mulf %neg3A_12, %mul3A_13 : vector<1024x256xf32>
    %abs3A = math.absf %mul3A_14 : vector<1024x256xf32>
    %mul3A_15 = arith.mulf %mul3A_14, %mul3A_14 : vector<1024x256xf32>
    %mul3A_16 = arith.constant 7.85386146E-5 : f32
    %mul3A_17 = vector.broadcast %mul3A_16 : f32 to vector<1024x256xf32>
    %mul3A_18 = arith.mulf %mul3A_15, %mul3A_17 : vector<1024x256xf32>
    %add3A_19 = arith.constant -8.0101937E-4 : f32
    %add3A_20 = vector.broadcast %add3A_19 : f32 to vector<1024x256xf32>
    %add3A_21 = arith.addf %mul3A_18, %add3A_20 : vector<1024x256xf32>
    %mul3A_22 = arith.mulf %add3A_21, %mul3A_15 : vector<1024x256xf32>
    %add3A_23 = arith.constant 0.00518832775 : f32
    %add3A_24 = vector.broadcast %add3A_23 : f32 to vector<1024x256xf32>
    %add3A_25 = arith.addf %mul3A_22, %add3A_24 : vector<1024x256xf32>
    %mul3A_26 = arith.mulf %add3A_25, %mul3A_15 : vector<1024x256xf32>
    %add3A_27 = arith.constant -0.0268538129 : f32
    %add3A_28 = vector.broadcast %add3A_27 : f32 to vector<1024x256xf32>
    %add3A_29 = arith.addf %mul3A_26, %add3A_28 : vector<1024x256xf32>
    %mul3A_30 = arith.mulf %add3A_29, %mul3A_15 : vector<1024x256xf32>
    %add3A_31 = arith.constant 0.112835854 : f32
    %add3A_32 = vector.broadcast %add3A_31 : f32 to vector<1024x256xf32>
    %add3A_33 = arith.addf %mul3A_30, %add3A_32 : vector<1024x256xf32>
    %mul3A_34 = arith.mulf %add3A_33, %mul3A_15 : vector<1024x256xf32>
    %add3A_35 = arith.constant -0.37612626 : f32
    %add3A_36 = vector.broadcast %add3A_35 : f32 to vector<1024x256xf32>
    %add3A_37 = arith.addf %mul3A_34, %add3A_36 : vector<1024x256xf32>
    %mul3A_38 = arith.mulf %add3A_37, %mul3A_15 : vector<1024x256xf32>
    %add3A_39 = arith.constant 1.12837911 : f32
    %add3A_40 = vector.broadcast %add3A_39 : f32 to vector<1024x256xf32>
    %add3A_41 = arith.addf %mul3A_38, %add3A_40 : vector<1024x256xf32>
    %mul3A_42 = arith.mulf %mul3A_14, %add3A_41 : vector<1024x256xf32>
    %sub3A = arith.constant 1.000000e+00 : f32
    %sub3A_43 = vector.broadcast %sub3A : f32 to vector<1024x256xf32>
    %sub3A_44 = arith.subf %sub3A_43, %mul3A_42 : vector<1024x256xf32>
    %neg3A_45 = arith.constant 0.000000e+00 : f32
    %neg3A_46 = vector.broadcast %neg3A_45 : f32 to vector<1024x256xf32>
    %neg3A_47 = arith.subf %neg3A_46, %mul3A_15 : vector<1024x256xf32>
    %exp3A = math.exp %neg3A_47 : vector<1024x256xf32>
    %div3A = arith.constant 1.000000e+00 : f32
    %div3A_48 = vector.broadcast %div3A : f32 to vector<1024x256xf32>
    %div3A_49 = arith.divf %div3A_48, %abs3A : vector<1024x256xf32>
    %mul3A_50 = arith.mulf %exp3A, %div3A_49 : vector<1024x256xf32>
    %div3A_51 = arith.constant 1.000000e+00 : f32
    %div3A_52 = vector.broadcast %div3A_51 : f32 to vector<1024x256xf32>
    %div3A_53 = arith.divf %div3A_52, %mul3A_15 : vector<1024x256xf32>
    %mul3A_54 = arith.constant 2.326820e-02 : f32
    %mul3A_55 = vector.broadcast %mul3A_54 : f32 to vector<1024x256xf32>
    %mul3A_56 = arith.mulf %div3A_53, %mul3A_55 : vector<1024x256xf32>
    %add3A_57 = arith.constant -0.138703942 : f32
    %add3A_58 = vector.broadcast %add3A_57 : f32 to vector<1024x256xf32>
    %add3A_59 = arith.addf %mul3A_56, %add3A_58 : vector<1024x256xf32>
    %mul3A_60 = arith.mulf %add3A_59, %div3A_53 : vector<1024x256xf32>
    %add3A_61 = arith.constant 0.368742466 : f32
    %add3A_62 = vector.broadcast %add3A_61 : f32 to vector<1024x256xf32>
    %add3A_63 = arith.addf %mul3A_60, %add3A_62 : vector<1024x256xf32>
    %mul3A_64 = arith.mulf %add3A_63, %div3A_53 : vector<1024x256xf32>
    %add3A_65 = arith.constant -0.582473278 : f32
    %add3A_66 = vector.broadcast %add3A_65 : f32 to vector<1024x256xf32>
    %add3A_67 = arith.addf %mul3A_64, %add3A_66 : vector<1024x256xf32>
    %mul3A_68 = arith.mulf %add3A_67, %div3A_53 : vector<1024x256xf32>
    %add3A_69 = arith.constant 0.621000468 : f32
    %add3A_70 = vector.broadcast %add3A_69 : f32 to vector<1024x256xf32>
    %add3A_71 = arith.addf %mul3A_68, %add3A_70 : vector<1024x256xf32>
    %mul3A_72 = arith.mulf %add3A_71, %div3A_53 : vector<1024x256xf32>
    %add3A_73 = arith.constant -0.494451523 : f32
    %add3A_74 = vector.broadcast %add3A_73 : f32 to vector<1024x256xf32>
    %add3A_75 = arith.addf %mul3A_72, %add3A_74 : vector<1024x256xf32>
    %mul3A_76 = arith.mulf %add3A_75, %div3A_53 : vector<1024x256xf32>
    %add3A_77 = arith.constant 3.404880e-01 : f32
    %add3A_78 = vector.broadcast %add3A_77 : f32 to vector<1024x256xf32>
    %add3A_79 = arith.addf %mul3A_76, %add3A_78 : vector<1024x256xf32>
    %mul3A_80 = arith.mulf %add3A_79, %div3A_53 : vector<1024x256xf32>
    %add3A_81 = arith.constant -0.274112701 : f32
    %add3A_82 = vector.broadcast %add3A_81 : f32 to vector<1024x256xf32>
    %add3A_83 = arith.addf %mul3A_80, %add3A_82 : vector<1024x256xf32>
    %mul3A_84 = arith.mulf %add3A_83, %div3A_53 : vector<1024x256xf32>
    %add3A_85 = arith.constant 0.563825965 : f32
    %add3A_86 = vector.broadcast %add3A_85 : f32 to vector<1024x256xf32>
    %add3A_87 = arith.addf %mul3A_84, %add3A_86 : vector<1024x256xf32>
    %mul3A_88 = arith.constant -10.477664 : f32
    %mul3A_89 = vector.broadcast %mul3A_88 : f32 to vector<1024x256xf32>
    %mul3A_90 = arith.mulf %div3A_53, %mul3A_89 : vector<1024x256xf32>
    %add3A_91 = arith.constant 1.297720e+01 : f32
    %add3A_92 = vector.broadcast %add3A_91 : f32 to vector<1024x256xf32>
    %add3A_93 = arith.addf %mul3A_90, %add3A_92 : vector<1024x256xf32>
    %mul3A_94 = arith.mulf %add3A_93, %div3A_53 : vector<1024x256xf32>
    %add3A_95 = arith.constant -7.49551868 : f32
    %add3A_96 = vector.broadcast %add3A_95 : f32 to vector<1024x256xf32>
    %add3A_97 = arith.addf %mul3A_94, %add3A_96 : vector<1024x256xf32>
    %mul3A_98 = arith.mulf %add3A_97, %div3A_53 : vector<1024x256xf32>
    %add3A_99 = arith.constant 2.92101908 : f32
    %add3A_100 = vector.broadcast %add3A_99 : f32 to vector<1024x256xf32>
    %add3A_101 = arith.addf %mul3A_98, %add3A_100 : vector<1024x256xf32>
    %mul3A_102 = arith.mulf %add3A_101, %div3A_53 : vector<1024x256xf32>
    %add3A_103 = arith.constant -1.01526523 : f32
    %add3A_104 = vector.broadcast %add3A_103 : f32 to vector<1024x256xf32>
    %add3A_105 = arith.addf %mul3A_102, %add3A_104 : vector<1024x256xf32>
    %mul3A_106 = arith.mulf %add3A_105, %div3A_53 : vector<1024x256xf32>
    %add3A_107 = arith.constant 0.42184633 : f32
    %add3A_108 = vector.broadcast %add3A_107 : f32 to vector<1024x256xf32>
    %add3A_109 = arith.addf %mul3A_106, %add3A_108 : vector<1024x256xf32>
    %mul3A_110 = arith.mulf %add3A_109, %div3A_53 : vector<1024x256xf32>
    %add3A_111 = arith.constant -0.282076746 : f32
    %add3A_112 = vector.broadcast %add3A_111 : f32 to vector<1024x256xf32>
    %add3A_113 = arith.addf %mul3A_110, %add3A_112 : vector<1024x256xf32>
    %mul3A_114 = arith.mulf %add3A_113, %div3A_53 : vector<1024x256xf32>
    %add3A_115 = arith.constant 0.564189494 : f32
    %add3A_116 = vector.broadcast %add3A_115 : f32 to vector<1024x256xf32>
    %add3A_117 = arith.addf %mul3A_114, %add3A_116 : vector<1024x256xf32>
    %lt3A = arith.constant 2.000000e+00 : f32
    %lt3A_118 = vector.broadcast %lt3A : f32 to vector<1024x256xf32>
    %lt3A_119 = arith.cmpf olt, %abs3A, %lt3A_118 : vector<1024x256xf32>
    %select_n3A = arith.select %lt3A_119, %add3A_87, %add3A_117 : vector<1024x256xi1>, vector<1024x256xf32>
    %mul3A_120 = arith.mulf %mul3A_50, %select_n3A : vector<1024x256xf32>
    %lt3A_121 = arith.constant -88.7228394 : f32
    %lt3A_122 = vector.broadcast %lt3A_121 : f32 to vector<1024x256xf32>
    %lt3A_123 = arith.cmpf olt, %neg3A_47, %lt3A_122 : vector<1024x256xf32>
    %jit3A = arith.constant 0.000000e+00 : f32
    %broadcast_in_dim3A = vector.broadcast %jit3A : f32 to vector<1024x256xf32>
    %select_n3A_124 = arith.select %lt3A_123, %broadcast_in_dim3A, %mul3A_120 : vector<1024x256xi1>, vector<1024x256xf32>
    %lt3A_125 = arith.constant 0.000000e+00 : f32
    %lt3A_126 = vector.broadcast %lt3A_125 : f32 to vector<1024x256xf32>
    %lt3A_127 = arith.cmpf olt, %mul3A_14, %lt3A_126 : vector<1024x256xf32>
    %sub3A_128 = arith.constant 2.000000e+00 : f32
    %sub3A_129 = vector.broadcast %sub3A_128 : f32 to vector<1024x256xf32>
    %sub3A_130 = arith.subf %sub3A_129, %select_n3A_124 : vector<1024x256xf32>
    %select_n3A_131 = arith.select %lt3A_127, %sub3A_130, %select_n3A_124 : vector<1024x256xi1>, vector<1024x256xf32>
    %lt3A_132 = arith.constant 1.000000e+00 : f32
    %lt3A_133 = vector.broadcast %lt3A_132 : f32 to vector<1024x256xf32>
    %lt3A_134 = arith.cmpf olt, %abs3A, %lt3A_133 : vector<1024x256xf32>
    %select_n3A_135 = arith.select %lt3A_134, %sub3A_44, %select_n3A_131 : vector<1024x256xi1>, vector<1024x256xf32>
    %mul3A_136 = arith.constant 5.000000e-01 : f32
    %mul3A_137 = vector.broadcast %mul3A_136 : f32 to vector<1024x256xf32>
    %mul3A_138 = arith.mulf %add3A_10, %mul3A_137 : vector<1024x256xf32>
    %mul3A_139 = arith.mulf %mul3A_138, %select_n3A_135 : vector<1024x256xf32>
    %get3A_140 = arith.constant 0 : index
    %get3A_141 = arith.constant 0 : index
    %get3A_142 = vector.load %arg4[%get3A_140, %get3A_141] : memref<256x256xf32, #tpu.memory_space<vmem>>, vector<256x256xf32>
    %convert_element_type3A_143 = arith.truncf %mul3A_139 : vector<1024x256xf32> to vector<1024x256xbf16>
    %convert_element_type3A_144 = arith.truncf %get3A_142 : vector<256x256xf32> to vector<256x256xbf16>
    %dot_general3A_145 = arith.constant dense<0.000000e+00> : vector<1024x256xf32>
    %dot_general3A_146 = tpu.matmul %convert_element_type3A_143, %convert_element_type3A_144, %dot_general3A_145 {dimension_numbers = #tpu.dot_dimension_numbers<[1], [0], [0], [1], [0, 0, 1, 1], [], []>, transpose_lhs_hint = false} : vector<1024x256xbf16>, vector<256x256xbf16>, vector<1024x256xf32> -> vector<1024x256xf32>
    %get3A_147 = arith.constant 0 : index
    %get3A_148 = arith.constant 0 : index
    %get3A_149 = vector.load %arg5[%get3A_147, %get3A_148] : memref<1x256xf32, #tpu.memory_space<vmem>>, vector<1x256xf32>
    %add3A_150 = vector.broadcast %get3A_149 : vector<1x256xf32> to vector<1024x256xf32>
    %add3A_151 = arith.addf %dot_general3A_146, %add3A_150 : vector<1024x256xf32>
    %neg3A_152 = arith.constant 0.000000e+00 : f32
    %neg3A_153 = vector.broadcast %neg3A_152 : f32 to vector<1024x256xf32>
    %neg3A_154 = arith.subf %neg3A_153, %add3A_151 : vector<1024x256xf32>
    %mul3A_155 = arith.constant 0.707106769 : f32
    %mul3A_156 = vector.broadcast %mul3A_155 : f32 to vector<1024x256xf32>
    %mul3A_157 = arith.mulf %neg3A_154, %mul3A_156 : vector<1024x256xf32>
    %abs3A_158 = math.absf %mul3A_157 : vector<1024x256xf32>
    %mul3A_159 = arith.mulf %mul3A_157, %mul3A_157 : vector<1024x256xf32>
    %mul3A_160 = arith.constant 7.85386146E-5 : f32
    %mul3A_161 = vector.broadcast %mul3A_160 : f32 to vector<1024x256xf32>
    %mul3A_162 = arith.mulf %mul3A_159, %mul3A_161 : vector<1024x256xf32>
    %add3A_163 = arith.constant -8.0101937E-4 : f32
    %add3A_164 = vector.broadcast %add3A_163 : f32 to vector<1024x256xf32>
    %add3A_165 = arith.addf %mul3A_162, %add3A_164 : vector<1024x256xf32>
    %mul3A_166 = arith.mulf %add3A_165, %mul3A_159 : vector<1024x256xf32>
    %add3A_167 = arith.constant 0.00518832775 : f32
    %add3A_168 = vector.broadcast %add3A_167 : f32 to vector<1024x256xf32>
    %add3A_169 = arith.addf %mul3A_166, %add3A_168 : vector<1024x256xf32>
    %mul3A_170 = arith.mulf %add3A_169, %mul3A_159 : vector<1024x256xf32>
    %add3A_171 = arith.constant -0.0268538129 : f32
    %add3A_172 = vector.broadcast %add3A_171 : f32 to vector<1024x256xf32>
    %add3A_173 = arith.addf %mul3A_170, %add3A_172 : vector<1024x256xf32>
    %mul3A_174 = arith.mulf %add3A_173, %mul3A_159 : vector<1024x256xf32>
    %add3A_175 = arith.constant 0.112835854 : f32
    %add3A_176 = vector.broadcast %add3A_175 : f32 to vector<1024x256xf32>
    %add3A_177 = arith.addf %mul3A_174, %add3A_176 : vector<1024x256xf32>
    %mul3A_178 = arith.mulf %add3A_177, %mul3A_159 : vector<1024x256xf32>
    %add3A_179 = arith.constant -0.37612626 : f32
    %add3A_180 = vector.broadcast %add3A_179 : f32 to vector<1024x256xf32>
    %add3A_181 = arith.addf %mul3A_178, %add3A_180 : vector<1024x256xf32>
    %mul3A_182 = arith.mulf %add3A_181, %mul3A_159 : vector<1024x256xf32>
    %add3A_183 = arith.constant 1.12837911 : f32
    %add3A_184 = vector.broadcast %add3A_183 : f32 to vector<1024x256xf32>
    %add3A_185 = arith.addf %mul3A_182, %add3A_184 : vector<1024x256xf32>
    %mul3A_186 = arith.mulf %mul3A_157, %add3A_185 : vector<1024x256xf32>
    %sub3A_187 = arith.constant 1.000000e+00 : f32
    %sub3A_188 = vector.broadcast %sub3A_187 : f32 to vector<1024x256xf32>
    %sub3A_189 = arith.subf %sub3A_188, %mul3A_186 : vector<1024x256xf32>
    %neg3A_190 = arith.constant 0.000000e+00 : f32
    %neg3A_191 = vector.broadcast %neg3A_190 : f32 to vector<1024x256xf32>
    %neg3A_192 = arith.subf %neg3A_191, %mul3A_159 : vector<1024x256xf32>
    %exp3A_193 = math.exp %neg3A_192 : vector<1024x256xf32>
    %div3A_194 = arith.constant 1.000000e+00 : f32
    %div3A_195 = vector.broadcast %div3A_194 : f32 to vector<1024x256xf32>
    %div3A_196 = arith.divf %div3A_195, %abs3A_158 : vector<1024x256xf32>
    %mul3A_197 = arith.mulf %exp3A_193, %div3A_196 : vector<1024x256xf32>
    %div3A_198 = arith.constant 1.000000e+00 : f32
    %div3A_199 = vector.broadcast %div3A_198 : f32 to vector<1024x256xf32>
    %div3A_200 = arith.divf %div3A_199, %mul3A_159 : vector<1024x256xf32>
    %mul3A_201 = arith.constant 2.326820e-02 : f32
    %mul3A_202 = vector.broadcast %mul3A_201 : f32 to vector<1024x256xf32>
    %mul3A_203 = arith.mulf %div3A_200, %mul3A_202 : vector<1024x256xf32>
    %add3A_204 = arith.constant -0.138703942 : f32
    %add3A_205 = vector.broadcast %add3A_204 : f32 to vector<1024x256xf32>
    %add3A_206 = arith.addf %mul3A_203, %add3A_205 : vector<1024x256xf32>
    %mul3A_207 = arith.mulf %add3A_206, %div3A_200 : vector<1024x256xf32>
    %add3A_208 = arith.constant 0.368742466 : f32
    %add3A_209 = vector.broadcast %add3A_208 : f32 to vector<1024x256xf32>
    %add3A_210 = arith.addf %mul3A_207, %add3A_209 : vector<1024x256xf32>
    %mul3A_211 = arith.mulf %add3A_210, %div3A_200 : vector<1024x256xf32>
    %add3A_212 = arith.constant -0.582473278 : f32
    %add3A_213 = vector.broadcast %add3A_212 : f32 to vector<1024x256xf32>
    %add3A_214 = arith.addf %mul3A_211, %add3A_213 : vector<1024x256xf32>
    %mul3A_215 = arith.mulf %add3A_214, %div3A_200 : vector<1024x256xf32>
    %add3A_216 = arith.constant 0.621000468 : f32
    %add3A_217 = vector.broadcast %add3A_216 : f32 to vector<1024x256xf32>
    %add3A_218 = arith.addf %mul3A_215, %add3A_217 : vector<1024x256xf32>
    %mul3A_219 = arith.mulf %add3A_218, %div3A_200 : vector<1024x256xf32>
    %add3A_220 = arith.constant -0.494451523 : f32
    %add3A_221 = vector.broadcast %add3A_220 : f32 to vector<1024x256xf32>
    %add3A_222 = arith.addf %mul3A_219, %add3A_221 : vector<1024x256xf32>
    %mul3A_223 = arith.mulf %add3A_222, %div3A_200 : vector<1024x256xf32>
    %add3A_224 = arith.constant 3.404880e-01 : f32
    %add3A_225 = vector.broadcast %add3A_224 : f32 to vector<1024x256xf32>
    %add3A_226 = arith.addf %mul3A_223, %add3A_225 : vector<1024x256xf32>
    %mul3A_227 = arith.mulf %add3A_226, %div3A_200 : vector<1024x256xf32>
    %add3A_228 = arith.constant -0.274112701 : f32
    %add3A_229 = vector.broadcast %add3A_228 : f32 to vector<1024x256xf32>
    %add3A_230 = arith.addf %mul3A_227, %add3A_229 : vector<1024x256xf32>
    %mul3A_231 = arith.mulf %add3A_230, %div3A_200 : vector<1024x256xf32>
    %add3A_232 = arith.constant 0.563825965 : f32
    %add3A_233 = vector.broadcast %add3A_232 : f32 to vector<1024x256xf32>
    %add3A_234 = arith.addf %mul3A_231, %add3A_233 : vector<1024x256xf32>
    %mul3A_235 = arith.constant -10.477664 : f32
    %mul3A_236 = vector.broadcast %mul3A_235 : f32 to vector<1024x256xf32>
    %mul3A_237 = arith.mulf %div3A_200, %mul3A_236 : vector<1024x256xf32>
    %add3A_238 = arith.constant 1.297720e+01 : f32
    %add3A_239 = vector.broadcast %add3A_238 : f32 to vector<1024x256xf32>
    %add3A_240 = arith.addf %mul3A_237, %add3A_239 : vector<1024x256xf32>
    %mul3A_241 = arith.mulf %add3A_240, %div3A_200 : vector<1024x256xf32>
    %add3A_242 = arith.constant -7.49551868 : f32
    %add3A_243 = vector.broadcast %add3A_242 : f32 to vector<1024x256xf32>
    %add3A_244 = arith.addf %mul3A_241, %add3A_243 : vector<1024x256xf32>
    %mul3A_245 = arith.mulf %add3A_244, %div3A_200 : vector<1024x256xf32>
    %add3A_246 = arith.constant 2.92101908 : f32
    %add3A_247 = vector.broadcast %add3A_246 : f32 to vector<1024x256xf32>
    %add3A_248 = arith.addf %mul3A_245, %add3A_247 : vector<1024x256xf32>
    %mul3A_249 = arith.mulf %add3A_248, %div3A_200 : vector<1024x256xf32>
    %add3A_250 = arith.constant -1.01526523 : f32
    %add3A_251 = vector.broadcast %add3A_250 : f32 to vector<1024x256xf32>
    %add3A_252 = arith.addf %mul3A_249, %add3A_251 : vector<1024x256xf32>
    %mul3A_253 = arith.mulf %add3A_252, %div3A_200 : vector<1024x256xf32>
    %add3A_254 = arith.constant 0.42184633 : f32
    %add3A_255 = vector.broadcast %add3A_254 : f32 to vector<1024x256xf32>
    %add3A_256 = arith.addf %mul3A_253, %add3A_255 : vector<1024x256xf32>
    %mul3A_257 = arith.mulf %add3A_256, %div3A_200 : vector<1024x256xf32>
    %add3A_258 = arith.constant -0.282076746 : f32
    %add3A_259 = vector.broadcast %add3A_258 : f32 to vector<1024x256xf32>
    %add3A_260 = arith.addf %mul3A_257, %add3A_259 : vector<1024x256xf32>
    %mul3A_261 = arith.mulf %add3A_260, %div3A_200 : vector<1024x256xf32>
    %add3A_262 = arith.constant 0.564189494 : f32
    %add3A_263 = vector.broadcast %add3A_262 : f32 to vector<1024x256xf32>
    %add3A_264 = arith.addf %mul3A_261, %add3A_263 : vector<1024x256xf32>
    %lt3A_265 = arith.constant 2.000000e+00 : f32
    %lt3A_266 = vector.broadcast %lt3A_265 : f32 to vector<1024x256xf32>
    %lt3A_267 = arith.cmpf olt, %abs3A_158, %lt3A_266 : vector<1024x256xf32>
    %select_n3A_268 = arith.select %lt3A_267, %add3A_234, %add3A_264 : vector<1024x256xi1>, vector<1024x256xf32>
    %mul3A_269 = arith.mulf %mul3A_197, %select_n3A_268 : vector<1024x256xf32>
    %lt3A_270 = arith.constant -88.7228394 : f32
    %lt3A_271 = vector.broadcast %lt3A_270 : f32 to vector<1024x256xf32>
    %lt3A_272 = arith.cmpf olt, %neg3A_192, %lt3A_271 : vector<1024x256xf32>
    %jit3A_273 = arith.constant 0.000000e+00 : f32
    %broadcast_in_dim3A_274 = vector.broadcast %jit3A_273 : f32 to vector<1024x256xf32>
    %select_n3A_275 = arith.select %lt3A_272, %broadcast_in_dim3A_274, %mul3A_269 : vector<1024x256xi1>, vector<1024x256xf32>
    %lt3A_276 = arith.constant 0.000000e+00 : f32
    %lt3A_277 = vector.broadcast %lt3A_276 : f32 to vector<1024x256xf32>
    %lt3A_278 = arith.cmpf olt, %mul3A_157, %lt3A_277 : vector<1024x256xf32>
    %sub3A_279 = arith.constant 2.000000e+00 : f32
    %sub3A_280 = vector.broadcast %sub3A_279 : f32 to vector<1024x256xf32>
    %sub3A_281 = arith.subf %sub3A_280, %select_n3A_275 : vector<1024x256xf32>
    %select_n3A_282 = arith.select %lt3A_278, %sub3A_281, %select_n3A_275 : vector<1024x256xi1>, vector<1024x256xf32>
    %lt3A_283 = arith.constant 1.000000e+00 : f32
    %lt3A_284 = vector.broadcast %lt3A_283 : f32 to vector<1024x256xf32>
    %lt3A_285 = arith.cmpf olt, %abs3A_158, %lt3A_284 : vector<1024x256xf32>
    %select_n3A_286 = arith.select %lt3A_285, %sub3A_189, %select_n3A_282 : vector<1024x256xi1>, vector<1024x256xf32>
    %mul3A_287 = arith.constant 5.000000e-01 : f32
    %mul3A_288 = vector.broadcast %mul3A_287 : f32 to vector<1024x256xf32>
    %mul3A_289 = arith.mulf %add3A_151, %mul3A_288 : vector<1024x256xf32>
    %mul3A_290 = arith.mulf %mul3A_289, %select_n3A_286 : vector<1024x256xf32>
    %get3A_291 = arith.constant 0 : index
    %get3A_292 = arith.constant 0 : index
    %get3A_293 = vector.load %arg6[%get3A_291, %get3A_292] : memref<256x32xf32, #tpu.memory_space<vmem>>, vector<256x32xf32>
    %convert_element_type3A_294 = arith.truncf %mul3A_290 : vector<1024x256xf32> to vector<1024x256xbf16>
    %convert_element_type3A_295 = arith.truncf %get3A_293 : vector<256x32xf32> to vector<256x32xbf16>
    %dot_general3A_296 = arith.constant dense<0.000000e+00> : vector<1024x32xf32>
    %dot_general3A_297 = tpu.matmul %convert_element_type3A_294, %convert_element_type3A_295, %dot_general3A_296 {dimension_numbers = #tpu.dot_dimension_numbers<[1], [0], [0], [1], [0, 0, 1, 1], [], []>, transpose_lhs_hint = false} : vector<1024x256xbf16>, vector<256x32xbf16>, vector<1024x32xf32> -> vector<1024x32xf32>
    %get3A_298 = arith.constant 0 : index
    %get3A_299 = arith.constant 0 : index
    %get3A_300 = vector.load %arg7[%get3A_298, %get3A_299] : memref<1x32xf32, #tpu.memory_space<vmem>>, vector<1x32xf32>
    %add3A_301 = vector.broadcast %get3A_300 : vector<1x32xf32> to vector<1024x32xf32>
    %add3A_302 = arith.addf %dot_general3A_297, %add3A_301 : vector<1024x32xf32>
    %swap3A = arith.constant 0 : index
    %swap3A_303 = arith.constant 0 : index
    %swap3A_304 = vector.load %arg9[%swap3A, %swap3A_303] : memref<1024x32xf32, #tpu.memory_space<vmem>>, vector<1024x32xf32>
    tpu.vector_store %arg9[%swap3A, %swap3A_303], %add3A_302 {strides = array<i32>} : memref<1024x32xf32, #tpu.memory_space<vmem>>, vector<1024x32xf32>,
    %mul3A_305 = arith.mulf %add3A_302, %add3A_302 : vector<1024x32xf32>
    %slice3A = vector.extract_strided_slice %mul3A_305 {offsets = [0, 0], sizes = [1024, 8], strides = [1, 1]} : vector<1024x32xf32> to vector<1024x8xf32>
    %slice3A_306 = vector.extract_strided_slice %mul3A_305 {offsets = [0, 8], sizes = [1024, 8], strides = [1, 1]} : vector<1024x32xf32> to vector<1024x8xf32>
    %add3A_307 = arith.addf %slice3A, %slice3A_306 : vector<1024x8xf32>
    %slice3A_308 = vector.extract_strided_slice %mul3A_305 {offsets = [0, 16], sizes = [1024, 8], strides = [1, 1]} : vector<1024x32xf32> to vector<1024x8xf32>
    %add3A_309 = arith.addf %add3A_307, %slice3A_308 : vector<1024x8xf32>
    %slice3A_310 = vector.extract_strided_slice %mul3A_305 {offsets = [0, 24], sizes = [1024, 8], strides = [1, 1]} : vector<1024x32xf32> to vector<1024x8xf32>
    %add3A_311 = arith.addf %add3A_309, %slice3A_310 : vector<1024x8xf32>
    %slice3A_312 = vector.extract_strided_slice %add3A_311 {offsets = [0, 0], sizes = [1024, 1], strides = [1, 1]} : vector<1024x8xf32> to vector<1024x1xf32>
    %slice3A_313 = vector.extract_strided_slice %add3A_311 {offsets = [0, 4], sizes = [1024, 1], strides = [1, 1]} : vector<1024x8xf32> to vector<1024x1xf32>
    %add3A_314 = arith.addf %slice3A_312, %slice3A_313 : vector<1024x1xf32>
    %slice3A_315 = vector.extract_strided_slice %add3A_311 {offsets = [0, 2], sizes = [1024, 1], strides = [1, 1]} : vector<1024x8xf32> to vector<1024x1xf32>
    %slice3A_316 = vector.extract_strided_slice %add3A_311 {offsets = [0, 6], sizes = [1024, 1], strides = [1, 1]} : vector<1024x8xf32> to vector<1024x1xf32>
    %add3A_317 = arith.addf %slice3A_315, %slice3A_316 : vector<1024x1xf32>
    %add3A_318 = arith.addf %add3A_314, %add3A_317 : vector<1024x1xf32>
    %slice3A_319 = vector.extract_strided_slice %add3A_311 {offsets = [0, 1], sizes = [1024, 1], strides = [1, 1]} : vector<1024x8xf32> to vector<1024x1xf32>
    %slice3A_320 = vector.extract_strided_slice %add3A_311 {offsets = [0, 5], sizes = [1024, 1], strides = [1, 1]} : vector<1024x8xf32> to vector<1024x1xf32>
    %add3A_321 = arith.addf %slice3A_319, %slice3A_320 : vector<1024x1xf32>
    %slice3A_322 = vector.extract_strided_slice %add3A_311 {offsets = [0, 3], sizes = [1024, 1], strides = [1, 1]} : vector<1024x8xf32> to vector<1024x1xf32>
    %slice3A_323 = vector.extract_strided_slice %add3A_311 {offsets = [0, 7], sizes = [1024, 1], strides = [1, 1]} : vector<1024x8xf32> to vector<1024x1xf32>
    %add3A_324 = arith.addf %slice3A_322, %slice3A_323 : vector<1024x1xf32>
    %add3A_325 = arith.addf %add3A_321, %add3A_324 : vector<1024x1xf32>
    %add3A_326 = arith.addf %add3A_318, %add3A_325 : vector<1024x1xf32>
    %convert_element_type3A_327 = arith.truncf %add3A_302 : vector<1024x32xf32> to vector<1024x32xbf16>
    %get3A_328 = arith.constant 0 : index
    %get3A_329 = arith.constant 0 : index
    %get3A_330 = vector.load %arg8[%get3A_328, %get3A_329] : memref<32x8192xf32, #tpu.memory_space<vmem>>, vector<32x2048xf32>
    %mul3A_331 = arith.mulf %get3A_330, %get3A_330 : vector<32x2048xf32>
    %slice3A_332 = vector.extract_strided_slice %mul3A_331 {offsets = [0, 0], sizes = [8, 2048], strides = [1, 1]} : vector<32x2048xf32> to vector<8x2048xf32>
    %slice3A_333 = vector.extract_strided_slice %mul3A_331 {offsets = [8, 0], sizes = [8, 2048], strides = [1, 1]} : vector<32x2048xf32> to vector<8x2048xf32>
    %add3A_334 = arith.addf %slice3A_332, %slice3A_333 : vector<8x2048xf32>
    %slice3A_335 = vector.extract_strided_slice %mul3A_331 {offsets = [16, 0], sizes = [8, 2048], strides = [1, 1]} : vector<32x2048xf32> to vector<8x2048xf32>
    %add3A_336 = arith.addf %add3A_334, %slice3A_335 : vector<8x2048xf32>
    %slice3A_337 = vector.extract_strided_slice %mul3A_331 {offsets = [24, 0], sizes = [8, 2048], strides = [1, 1]} : vector<32x2048xf32> to vector<8x2048xf32>
    %add3A_338 = arith.addf %add3A_336, %slice3A_337 : vector<8x2048xf32>
    %slice3A_339 = vector.extract_strided_slice %add3A_338 {offsets = [0, 0], sizes = [1, 2048], strides = [1, 1]} : vector<8x2048xf32> to vector<1x2048xf32>
    %slice3A_340 = vector.extract_strided_slice %add3A_338 {offsets = [4, 0], sizes = [1, 2048], strides = [1, 1]} : vector<8x2048xf32> to vector<1x2048xf32>
    %add3A_341 = arith.addf %slice3A_339, %slice3A_340 : vector<1x2048xf32>
    %slice3A_342 = vector.extract_strided_slice %add3A_338 {offsets = [2, 0], sizes = [1, 2048], strides = [1, 1]} : vector<8x2048xf32> to vector<1x2048xf32>
    %slice3A_343 = vector.extract_strided_slice %add3A_338 {offsets = [6, 0], sizes = [1, 2048], strides = [1, 1]} : vector<8x2048xf32> to vector<1x2048xf32>
    %add3A_344 = arith.addf %slice3A_342, %slice3A_343 : vector<1x2048xf32>
    %add3A_345 = arith.addf %add3A_341, %add3A_344 : vector<1x2048xf32>
    %slice3A_346 = vector.extract_strided_slice %add3A_338 {offsets = [1, 0], sizes = [1, 2048], strides = [1, 1]} : vector<8x2048xf32> to vector<1x2048xf32>
    %slice3A_347 = vector.extract_strided_slice %add3A_338 {offsets = [5, 0], sizes = [1, 2048], strides = [1, 1]} : vector<8x2048xf32> to vector<1x2048xf32>
    %add3A_348 = arith.addf %slice3A_346, %slice3A_347 : vector<1x2048xf32>
    %slice3A_349 = vector.extract_strided_slice %add3A_338 {offsets = [3, 0], sizes = [1, 2048], strides = [1, 1]} : vector<8x2048xf32> to vector<1x2048xf32>
    %slice3A_350 = vector.extract_strided_slice %add3A_338 {offsets = [7, 0], sizes = [1, 2048], strides = [1, 1]} : vector<8x2048xf32> to vector<1x2048xf32>
    %add3A_351 = arith.addf %slice3A_349, %slice3A_350 : vector<1x2048xf32>
    %add3A_352 = arith.addf %add3A_348, %add3A_351 : vector<1x2048xf32>
    %add3A_353 = arith.addf %add3A_345, %add3A_352 : vector<1x2048xf32>
    %mul3A_354 = arith.constant 2.500000e-01 : f32
    %mul3A_355 = vector.broadcast %mul3A_354 : f32 to vector<1x2048xf32>
    %mul3A_356 = arith.mulf %mul3A_355, %add3A_353 : vector<1x2048xf32>
    %convert_element_type3A_357 = arith.truncf %get3A_330 : vector<32x2048xf32> to vector<32x2048xbf16>
    %dot_general3A_358 = arith.constant dense<0.000000e+00> : vector<1024x2048xf32>
    %dot_general3A_359 = tpu.matmul %convert_element_type3A_327, %convert_element_type3A_357, %dot_general3A_358 {dimension_numbers = #tpu.dot_dimension_numbers<[1], [0], [0], [1], [0, 0, 1, 1], [], []>, transpose_lhs_hint = false} : vector<1024x32xbf16>, vector<32x2048xbf16>, vector<1024x2048xf32> -> vector<1024x2048xf32>
    %add3A_360 = vector.broadcast %add3A_326 : vector<1024x1xf32> to vector<1024x2048xf32>
    %add3A_361 = vector.broadcast %mul3A_356 : vector<1x2048xf32> to vector<1024x2048xf32>
    %add3A_362 = arith.addf %add3A_360, %add3A_361 : vector<1024x2048xf32>
    %add3A_363 = arith.addf %add3A_362, %dot_general3A_359 : vector<1024x2048xf32>
    %reduce_min3A = arith.constant dense<0x7F800000> : vector<1024xf32>
    %reduce_min3A_364 = vector.multi_reduction <minimumf>, %add3A_363, %reduce_min3A [1] : vector<1024x2048xf32> to vector<1024xf32>
    %broadcast_in_dim3A_365 = vector.shape_cast %reduce_min3A_364 : vector<1024xf32> to vector<1024x1xf32>
    %iota3A = tpu.iota {dimensions = array<i32: 1>} : vector<1024x2048xi32>
    %add3A_366 = arith.constant 0 : i32
    %add3A_367 = vector.broadcast %add3A_366 : i32 to vector<1024x2048xi32>
    %add3A_368 = arith.addi %iota3A, %add3A_367 : vector<1024x2048xi32>
    %eq3A = vector.broadcast %broadcast_in_dim3A_365 : vector<1024x1xf32> to vector<1024x2048xf32>
    %eq3A_369 = arith.cmpf oeq, %add3A_363, %eq3A : vector<1024x2048xf32>
    %jit3A_370 = arith.constant 8192 : i32
    %broadcast_in_dim3A_371 = vector.broadcast %jit3A_370 : i32 to vector<1024x2048xi32>
    %select_n3A_372 = arith.select %eq3A_369, %add3A_368, %broadcast_in_dim3A_371 : vector<1024x2048xi1>, vector<1024x2048xi32>
    %reduce_min3A_373 = arith.constant dense<2147483647> : vector<1024xi32>
    %reduce_min3A_374 = vector.multi_reduction <minsi>, %select_n3A_372, %reduce_min3A_373 [1] : vector<1024x2048xi32> to vector<1024xi32>
    %broadcast_in_dim3A_375 = vector.shape_cast %reduce_min3A_374 : vector<1024xi32> to vector<1024x1xi32>
    %get3A_376 = arith.constant 0 : index
    %get3A_377 = arith.constant 2048 : index
    %get3A_378 = vector.load %arg8[%get3A_376, %get3A_377] : memref<32x8192xf32, #tpu.memory_space<vmem>>, vector<32x2048xf32>
    %mul3A_379 = arith.mulf %get3A_378, %get3A_378 : vector<32x2048xf32>
    %slice3A_380 = vector.extract_strided_slice %mul3A_379 {offsets = [0, 0], sizes = [8, 2048], strides = [1, 1]} : vector<32x2048xf32> to vector<8x2048xf32>
    %slice3A_381 = vector.extract_strided_slice %mul3A_379 {offsets = [8, 0], sizes = [8, 2048], strides = [1, 1]} : vector<32x2048xf32> to vector<8x2048xf32>
    %add3A_382 = arith.addf %slice3A_380, %slice3A_381 : vector<8x2048xf32>
    %slice3A_383 = vector.extract_strided_slice %mul3A_379 {offsets = [16, 0], sizes = [8, 2048], strides = [1, 1]} : vector<32x2048xf32> to vector<8x2048xf32>
    %add3A_384 = arith.addf %add3A_382, %slice3A_383 : vector<8x2048xf32>
    %slice3A_385 = vector.extract_strided_slice %mul3A_379 {offsets = [24, 0], sizes = [8, 2048], strides = [1, 1]} : vector<32x2048xf32> to vector<8x2048xf32>
    %add3A_386 = arith.addf %add3A_384, %slice3A_385 : vector<8x2048xf32>
    %slice3A_387 = vector.extract_strided_slice %add3A_386 {offsets = [0, 0], sizes = [1, 2048], strides = [1, 1]} : vector<8x2048xf32> to vector<1x2048xf32>
    %slice3A_388 = vector.extract_strided_slice %add3A_386 {offsets = [4, 0], sizes = [1, 2048], strides = [1, 1]} : vector<8x2048xf32> to vector<1x2048xf32>
    %add3A_389 = arith.addf %slice3A_387, %slice3A_388 : vector<1x2048xf32>
    %slice3A_390 = vector.extract_strided_slice %add3A_386 {offsets = [2, 0], sizes = [1, 2048], strides = [1, 1]} : vector<8x2048xf32> to vector<1x2048xf32>
    %slice3A_391 = vector.extract_strided_slice %add3A_386 {offsets = [6, 0], sizes = [1, 2048], strides = [1, 1]} : vector<8x2048xf32> to vector<1x2048xf32>
    %add3A_392 = arith.addf %slice3A_390, %slice3A_391 : vector<1x2048xf32>
    %add3A_393 = arith.addf %add3A_389, %add3A_392 : vector<1x2048xf32>
    %slice3A_394 = vector.extract_strided_slice %add3A_386 {offsets = [1, 0], sizes = [1, 2048], strides = [1, 1]} : vector<8x2048xf32> to vector<1x2048xf32>
    %slice3A_395 = vector.extract_strided_slice %add3A_386 {offsets = [5, 0], sizes = [1, 2048], strides = [1, 1]} : vector<8x2048xf32> to vector<1x2048xf32>
    %add3A_396 = arith.addf %slice3A_394, %slice3A_395 : vector<1x2048xf32>
    %slice3A_397 = vector.extract_strided_slice %add3A_386 {offsets = [3, 0], sizes = [1, 2048], strides = [1, 1]} : vector<8x2048xf32> to vector<1x2048xf32>
    %slice3A_398 = vector.extract_strided_slice %add3A_386 {offsets = [7, 0], sizes = [1, 2048], strides = [1, 1]} : vector<8x2048xf32> to vector<1x2048xf32>
    %add3A_399 = arith.addf %slice3A_397, %slice3A_398 : vector<1x2048xf32>
    %add3A_400 = arith.addf %add3A_396, %add3A_399 : vector<1x2048xf32>
    %add3A_401 = arith.addf %add3A_393, %add3A_400 : vector<1x2048xf32>
    %mul3A_402 = arith.constant 2.500000e-01 : f32
    %mul3A_403 = vector.broadcast %mul3A_402 : f32 to vector<1x2048xf32>
    %mul3A_404 = arith.mulf %mul3A_403, %add3A_401 : vector<1x2048xf32>
    %convert_element_type3A_405 = arith.truncf %get3A_378 : vector<32x2048xf32> to vector<32x2048xbf16>
    %dot_general3A_406 = arith.constant dense<0.000000e+00> : vector<1024x2048xf32>
    %dot_general3A_407 = tpu.matmul %convert_element_type3A_327, %convert_element_type3A_405, %dot_general3A_406 {dimension_numbers = #tpu.dot_dimension_numbers<[1], [0], [0], [1], [0, 0, 1, 1], [], []>, transpose_lhs_hint = false} : vector<1024x32xbf16>, vector<32x2048xbf16>, vector<1024x2048xf32> -> vector<1024x2048xf32>
    %add3A_408 = vector.broadcast %add3A_326 : vector<1024x1xf32> to vector<1024x2048xf32>
    %add3A_409 = vector.broadcast %mul3A_404 : vector<1x2048xf32> to vector<1024x2048xf32>
    %add3A_410 = arith.addf %add3A_408, %add3A_409 : vector<1024x2048xf32>
    %add3A_411 = arith.addf %add3A_410, %dot_general3A_407 : vector<1024x2048xf32>
    %reduce_min3A_412 = arith.constant dense<0x7F800000> : vector<1024xf32>
    %reduce_min3A_413 = vector.multi_reduction <minimumf>, %add3A_411, %reduce_min3A_412 [1] : vector<1024x2048xf32> to vector<1024xf32>
    %broadcast_in_dim3A_414 = vector.shape_cast %reduce_min3A_413 : vector<1024xf32> to vector<1024x1xf32>
    %iota3A_415 = tpu.iota {dimensions = array<i32: 1>} : vector<1024x2048xi32>
    %add3A_416 = arith.constant 2048 : i32
    %add3A_417 = vector.broadcast %add3A_416 : i32 to vector<1024x2048xi32>
    %add3A_418 = arith.addi %iota3A_415, %add3A_417 : vector<1024x2048xi32>
    %eq3A_419 = vector.broadcast %broadcast_in_dim3A_414 : vector<1024x1xf32> to vector<1024x2048xf32>
    %eq3A_420 = arith.cmpf oeq, %add3A_411, %eq3A_419 : vector<1024x2048xf32>
    %jit3A_421 = arith.constant 8192 : i32
    %broadcast_in_dim3A_422 = vector.broadcast %jit3A_421 : i32 to vector<1024x2048xi32>
    %select_n3A_423 = arith.select %eq3A_420, %add3A_418, %broadcast_in_dim3A_422 : vector<1024x2048xi1>, vector<1024x2048xi32>
    %reduce_min3A_424 = arith.constant dense<2147483647> : vector<1024xi32>
    %reduce_min3A_425 = vector.multi_reduction <minsi>, %select_n3A_423, %reduce_min3A_424 [1] : vector<1024x2048xi32> to vector<1024xi32>
    %broadcast_in_dim3A_426 = vector.shape_cast %reduce_min3A_425 : vector<1024xi32> to vector<1024x1xi32>
    %get3A_427 = arith.constant 0 : index
    %get3A_428 = arith.constant 4096 : index
    %get3A_429 = vector.load %arg8[%get3A_427, %get3A_428] : memref<32x8192xf32, #tpu.memory_space<vmem>>, vector<32x2048xf32>
    %mul3A_430 = arith.mulf %get3A_429, %get3A_429 : vector<32x2048xf32>
    %slice3A_431 = vector.extract_strided_slice %mul3A_430 {offsets = [0, 0], sizes = [8, 2048], strides = [1, 1]} : vector<32x2048xf32> to vector<8x2048xf32>
    %slice3A_432 = vector.extract_strided_slice %mul3A_430 {offsets = [8, 0], sizes = [8, 2048], strides = [1, 1]} : vector<32x2048xf32> to vector<8x2048xf32>
    %add3A_433 = arith.addf %slice3A_431, %slice3A_432 : vector<8x2048xf32>
    %slice3A_434 = vector.extract_strided_slice %mul3A_430 {offsets = [16, 0], sizes = [8, 2048], strides = [1, 1]} : vector<32x2048xf32> to vector<8x2048xf32>
    %add3A_435 = arith.addf %add3A_433, %slice3A_434 : vector<8x2048xf32>
    %slice3A_436 = vector.extract_strided_slice %mul3A_430 {offsets = [24, 0], sizes = [8, 2048], strides = [1, 1]} : vector<32x2048xf32> to vector<8x2048xf32>
    %add3A_437 = arith.addf %add3A_435, %slice3A_436 : vector<8x2048xf32>
    %slice3A_438 = vector.extract_strided_slice %add3A_437 {offsets = [0, 0], sizes = [1, 2048], strides = [1, 1]} : vector<8x2048xf32> to vector<1x2048xf32>
    %slice3A_439 = vector.extract_strided_slice %add3A_437 {offsets = [4, 0], sizes = [1, 2048], strides = [1, 1]} : vector<8x2048xf32> to vector<1x2048xf32>
    %add3A_440 = arith.addf %slice3A_438, %slice3A_439 : vector<1x2048xf32>
    %slice3A_441 = vector.extract_strided_slice %add3A_437 {offsets = [2, 0], sizes = [1, 2048], strides = [1, 1]} : vector<8x2048xf32> to vector<1x2048xf32>
    %slice3A_442 = vector.extract_strided_slice %add3A_437 {offsets = [6, 0], sizes = [1, 2048], strides = [1, 1]} : vector<8x2048xf32> to vector<1x2048xf32>
    %add3A_443 = arith.addf %slice3A_441, %slice3A_442 : vector<1x2048xf32>
    %add3A_444 = arith.addf %add3A_440, %add3A_443 : vector<1x2048xf32>
    %slice3A_445 = vector.extract_strided_slice %add3A_437 {offsets = [1, 0], sizes = [1, 2048], strides = [1, 1]} : vector<8x2048xf32> to vector<1x2048xf32>
    %slice3A_446 = vector.extract_strided_slice %add3A_437 {offsets = [5, 0], sizes = [1, 2048], strides = [1, 1]} : vector<8x2048xf32> to vector<1x2048xf32>
    %add3A_447 = arith.addf %slice3A_445, %slice3A_446 : vector<1x2048xf32>
    %slice3A_448 = vector.extract_strided_slice %add3A_437 {offsets = [3, 0], sizes = [1, 2048], strides = [1, 1]} : vector<8x2048xf32> to vector<1x2048xf32>
    %slice3A_449 = vector.extract_strided_slice %add3A_437 {offsets = [7, 0], sizes = [1, 2048], strides = [1, 1]} : vector<8x2048xf32> to vector<1x2048xf32>
    %add3A_450 = arith.addf %slice3A_448, %slice3A_449 : vector<1x2048xf32>
    %add3A_451 = arith.addf %add3A_447, %add3A_450 : vector<1x2048xf32>
    %add3A_452 = arith.addf %add3A_444, %add3A_451 : vector<1x2048xf32>
    %mul3A_453 = arith.constant 2.500000e-01 : f32
    %mul3A_454 = vector.broadcast %mul3A_453 : f32 to vector<1x2048xf32>
    %mul3A_455 = arith.mulf %mul3A_454, %add3A_452 : vector<1x2048xf32>
    %convert_element_type3A_456 = arith.truncf %get3A_429 : vector<32x2048xf32> to vector<32x2048xbf16>
    %dot_general3A_457 = arith.constant dense<0.000000e+00> : vector<1024x2048xf32>
    %dot_general3A_458 = tpu.matmul %convert_element_type3A_327, %convert_element_type3A_456, %dot_general3A_457 {dimension_numbers = #tpu.dot_dimension_numbers<[1], [0], [0], [1], [0, 0, 1, 1], [], []>, transpose_lhs_hint = false} : vector<1024x32xbf16>, vector<32x2048xbf16>, vector<1024x2048xf32> -> vector<1024x2048xf32>
    %add3A_459 = vector.broadcast %add3A_326 : vector<1024x1xf32> to vector<1024x2048xf32>
    %add3A_460 = vector.broadcast %mul3A_455 : vector<1x2048xf32> to vector<1024x2048xf32>
    %add3A_461 = arith.addf %add3A_459, %add3A_460 : vector<1024x2048xf32>
    %add3A_462 = arith.addf %add3A_461, %dot_general3A_458 : vector<1024x2048xf32>
    %reduce_min3A_463 = arith.constant dense<0x7F800000> : vector<1024xf32>
    %reduce_min3A_464 = vector.multi_reduction <minimumf>, %add3A_462, %reduce_min3A_463 [1] : vector<1024x2048xf32> to vector<1024xf32>
    %broadcast_in_dim3A_465 = vector.shape_cast %reduce_min3A_464 : vector<1024xf32> to vector<1024x1xf32>
    %iota3A_466 = tpu.iota {dimensions = array<i32: 1>} : vector<1024x2048xi32>
    %add3A_467 = arith.constant 4096 : i32
    %add3A_468 = vector.broadcast %add3A_467 : i32 to vector<1024x2048xi32>
    %add3A_469 = arith.addi %iota3A_466, %add3A_468 : vector<1024x2048xi32>
    %eq3A_470 = vector.broadcast %broadcast_in_dim3A_465 : vector<1024x1xf32> to vector<1024x2048xf32>
    %eq3A_471 = arith.cmpf oeq, %add3A_462, %eq3A_470 : vector<1024x2048xf32>
    %jit3A_472 = arith.constant 8192 : i32
    %broadcast_in_dim3A_473 = vector.broadcast %jit3A_472 : i32 to vector<1024x2048xi32>
    %select_n3A_474 = arith.select %eq3A_471, %add3A_469, %broadcast_in_dim3A_473 : vector<1024x2048xi1>, vector<1024x2048xi32>
    %reduce_min3A_475 = arith.constant dense<2147483647> : vector<1024xi32>
    %reduce_min3A_476 = vector.multi_reduction <minsi>, %select_n3A_474, %reduce_min3A_475 [1] : vector<1024x2048xi32> to vector<1024xi32>
    %broadcast_in_dim3A_477 = vector.shape_cast %reduce_min3A_476 : vector<1024xi32> to vector<1024x1xi32>
    %get3A_478 = arith.constant 0 : index
    %get3A_479 = arith.constant 6144 : index
    %get3A_480 = vector.load %arg8[%get3A_478, %get3A_479] : memref<32x8192xf32, #tpu.memory_space<vmem>>, vector<32x2048xf32>
    %mul3A_481 = arith.mulf %get3A_480, %get3A_480 : vector<32x2048xf32>
    %slice3A_482 = vector.extract_strided_slice %mul3A_481 {offsets = [0, 0], sizes = [8, 2048], strides = [1, 1]} : vector<32x2048xf32> to vector<8x2048xf32>
    %slice3A_483 = vector.extract_strided_slice %mul3A_481 {offsets = [8, 0], sizes = [8, 2048], strides = [1, 1]} : vector<32x2048xf32> to vector<8x2048xf32>
    %add3A_484 = arith.addf %slice3A_482, %slice3A_483 : vector<8x2048xf32>
    %slice3A_485 = vector.extract_strided_slice %mul3A_481 {offsets = [16, 0], sizes = [8, 2048], strides = [1, 1]} : vector<32x2048xf32> to vector<8x2048xf32>
    %add3A_486 = arith.addf %add3A_484, %slice3A_485 : vector<8x2048xf32>
    %slice3A_487 = vector.extract_strided_slice %mul3A_481 {offsets = [24, 0], sizes = [8, 2048], strides = [1, 1]} : vector<32x2048xf32> to vector<8x2048xf32>
    %add3A_488 = arith.addf %add3A_486, %slice3A_487 : vector<8x2048xf32>
    %slice3A_489 = vector.extract_strided_slice %add3A_488 {offsets = [0, 0], sizes = [1, 2048], strides = [1, 1]} : vector<8x2048xf32> to vector<1x2048xf32>
    %slice3A_490 = vector.extract_strided_slice %add3A_488 {offsets = [4, 0], sizes = [1, 2048], strides = [1, 1]} : vector<8x2048xf32> to vector<1x2048xf32>
    %add3A_491 = arith.addf %slice3A_489, %slice3A_490 : vector<1x2048xf32>
    %slice3A_492 = vector.extract_strided_slice %add3A_488 {offsets = [2, 0], sizes = [1, 2048], strides = [1, 1]} : vector<8x2048xf32> to vector<1x2048xf32>
    %slice3A_493 = vector.extract_strided_slice %add3A_488 {offsets = [6, 0], sizes = [1, 2048], strides = [1, 1]} : vector<8x2048xf32> to vector<1x2048xf32>
    %add3A_494 = arith.addf %slice3A_492, %slice3A_493 : vector<1x2048xf32>
    %add3A_495 = arith.addf %add3A_491, %add3A_494 : vector<1x2048xf32>
    %slice3A_496 = vector.extract_strided_slice %add3A_488 {offsets = [1, 0], sizes = [1, 2048], strides = [1, 1]} : vector<8x2048xf32> to vector<1x2048xf32>
    %slice3A_497 = vector.extract_strided_slice %add3A_488 {offsets = [5, 0], sizes = [1, 2048], strides = [1, 1]} : vector<8x2048xf32> to vector<1x2048xf32>
    %add3A_498 = arith.addf %slice3A_496, %slice3A_497 : vector<1x2048xf32>
    %slice3A_499 = vector.extract_strided_slice %add3A_488 {offsets = [3, 0], sizes = [1, 2048], strides = [1, 1]} : vector<8x2048xf32> to vector<1x2048xf32>
    %slice3A_500 = vector.extract_strided_slice %add3A_488 {offsets = [7, 0], sizes = [1, 2048], strides = [1, 1]} : vector<8x2048xf32> to vector<1x2048xf32>
    %add3A_501 = arith.addf %slice3A_499, %slice3A_500 : vector<1x2048xf32>
    %add3A_502 = arith.addf %add3A_498, %add3A_501 : vector<1x2048xf32>
    %add3A_503 = arith.addf %add3A_495, %add3A_502 : vector<1x2048xf32>
    %mul3A_504 = arith.constant 2.500000e-01 : f32
    %mul3A_505 = vector.broadcast %mul3A_504 : f32 to vector<1x2048xf32>
    %mul3A_506 = arith.mulf %mul3A_505, %add3A_503 : vector<1x2048xf32>
    %convert_element_type3A_507 = arith.truncf %get3A_480 : vector<32x2048xf32> to vector<32x2048xbf16>
    %dot_general3A_508 = arith.constant dense<0.000000e+00> : vector<1024x2048xf32>
    %dot_general3A_509 = tpu.matmul %convert_element_type3A_327, %convert_element_type3A_507, %dot_general3A_508 {dimension_numbers = #tpu.dot_dimension_numbers<[1], [0], [0], [1], [0, 0, 1, 1], [], []>, transpose_lhs_hint = false} : vector<1024x32xbf16>, vector<32x2048xbf16>, vector<1024x2048xf32> -> vector<1024x2048xf32>
    %add3A_510 = vector.broadcast %add3A_326 : vector<1024x1xf32> to vector<1024x2048xf32>
    %add3A_511 = vector.broadcast %mul3A_506 : vector<1x2048xf32> to vector<1024x2048xf32>
    %add3A_512 = arith.addf %add3A_510, %add3A_511 : vector<1024x2048xf32>
    %add3A_513 = arith.addf %add3A_512, %dot_general3A_509 : vector<1024x2048xf32>
    %reduce_min3A_514 = arith.constant dense<0x7F800000> : vector<1024xf32>
    %reduce_min3A_515 = vector.multi_reduction <minimumf>, %add3A_513, %reduce_min3A_514 [1] : vector<1024x2048xf32> to vector<1024xf32>
    %broadcast_in_dim3A_516 = vector.shape_cast %reduce_min3A_515 : vector<1024xf32> to vector<1024x1xf32>
    %iota3A_517 = tpu.iota {dimensions = array<i32: 1>} : vector<1024x2048xi32>
    %add3A_518 = arith.constant 6144 : i32
    %add3A_519 = vector.broadcast %add3A_518 : i32 to vector<1024x2048xi32>
    %add3A_520 = arith.addi %iota3A_517, %add3A_519 : vector<1024x2048xi32>
    %eq3A_521 = vector.broadcast %broadcast_in_dim3A_516 : vector<1024x1xf32> to vector<1024x2048xf32>
    %eq3A_522 = arith.cmpf oeq, %add3A_513, %eq3A_521 : vector<1024x2048xf32>
    %jit3A_523 = arith.constant 8192 : i32
    %broadcast_in_dim3A_524 = vector.broadcast %jit3A_523 : i32 to vector<1024x2048xi32>
    %select_n3A_525 = arith.select %eq3A_522, %add3A_520, %broadcast_in_dim3A_524 : vector<1024x2048xi1>, vector<1024x2048xi32>
    %reduce_min3A_526 = arith.constant dense<2147483647> : vector<1024xi32>
    %reduce_min3A_527 = vector.multi_reduction <minsi>, %select_n3A_525, %reduce_min3A_526 [1] : vector<1024x2048xi32> to vector<1024xi32>
    %broadcast_in_dim3A_528 = vector.shape_cast %reduce_min3A_527 : vector<1024xi32> to vector<1024x1xi32>
    %lt3A_529 = arith.cmpf olt, %broadcast_in_dim3A_414, %broadcast_in_dim3A_365 : vector<1024x1xf32>
    %select_n3A_530 = arith.select %lt3A_529, %broadcast_in_dim3A_414, %broadcast_in_dim3A_365 : vector<1024x1xi1>, vector<1024x1xf32>
    %select_n3A_531 = arith.select %lt3A_529, %broadcast_in_dim3A_426, %broadcast_in_dim3A_375 : vector<1024x1xi1>, vector<1024x1xi32>
    %lt3A_532 = arith.cmpf olt, %broadcast_in_dim3A_516, %broadcast_in_dim3A_465 : vector<1024x1xf32>
    %select_n3A_533 = arith.select %lt3A_532, %broadcast_in_dim3A_516, %broadcast_in_dim3A_465 : vector<1024x1xi1>, vector<1024x1xf32>
    %select_n3A_534 = arith.select %lt3A_532, %broadcast_in_dim3A_528, %broadcast_in_dim3A_477 : vector<1024x1xi1>, vector<1024x1xi32>
    %convert_element_type3A_535 = arith.truncf %select_n3A_530 : vector<1024x1xf32> to vector<1024x1xbf16>
    %convert_element_type3A_536 = arith.extf %convert_element_type3A_535 : vector<1024x1xbf16> to vector<1024x1xf32>
    %lt3A_537 = arith.cmpf olt, %select_n3A_533, %convert_element_type3A_536 : vector<1024x1xf32>
    %select_n3A_538 = arith.select %lt3A_537, %select_n3A_534, %select_n3A_531 : vector<1024x1xi1>, vector<1024x1xi32>
    %swap3A_539 = arith.constant 0 : index
    %swap3A_540 = arith.constant 0 : index
    %swap3A_541 = vector.load %arg10[%swap3A_539, %swap3A_540] : memref<1024x1xi32, #tpu.memory_space<vmem>>, vector<1024x1xi32>
    tpu.vector_store %arg10[%swap3A_539, %swap3A_540], %select_n3A_538 {strides = array<i32>} : memref<1024x1xi32, #tpu.memory_space<vmem>>, vector<1024x1xi32>,
    return
  }
  func.func @transform_0(%arg0: i32) -> (i32, i32) {
    %c0_i32 = arith.constant 0 : i32
    %c0_i32_0 = arith.constant 0 : i32
    return %arg0, %c0_i32 : i32, i32
  }
  func.func @transform_1(%arg0: i32) -> (i32, i32) {
    %c0_i32 = arith.constant 0 : i32
    %c0_i32_0 = arith.constant 0 : i32
    %c0_i32_1 = arith.constant 0 : i32
    return %c0_i32, %c0_i32_0 : i32, i32
  }
  func.func @transform_2(%arg0: i32) -> (i32, i32) {
    %c0_i32 = arith.constant 0 : i32
    %c0_i32_0 = arith.constant 0 : i32
    %c0_i32_1 = arith.constant 0 : i32
    return %c0_i32, %c0_i32_0 : i32, i32
  }
  func.func @transform_3(%arg0: i32) -> (i32, i32) {
    %c0_i32 = arith.constant 0 : i32
    %c0_i32_0 = arith.constant 0 : i32
    %c0_i32_1 = arith.constant 0 : i32
    return %c0_i32, %c0_i32_0 : i32, i32
  }
  func.func @transform_4(%arg0: i32) -> (i32, i32) {
    %c0_i32 = arith.constant 0 : i32
    %c0_i32_0 = arith.constant 0 : i32
    %c0_i32_1 = arith.constant 0 : i32
    return %c0_i32, %c0_i32_0 : i32, i32
  }
  func.func @transform_5(%arg0: i32) -> (i32, i32) {
    %c0_i32 = arith.constant 0 : i32
    %c0_i32_0 = arith.constant 0 : i32
    %c0_i32_1 = arith.constant 0 : i32
    return %c0_i32, %c0_i32_0 : i32, i32
  }
  func.func @transform_6(%arg0: i32) -> (i32, i32) {
    %c0_i32 = arith.constant 0 : i32
    %c0_i32_0 = arith.constant 0 : i32
    %c0_i32_1 = arith.constant 0 : i32
    return %c0_i32, %c0_i32_0 : i32, i32
  }
  func.func @transform_7(%arg0: i32) -> (i32, i32) {
    %c0_i32 = arith.constant 0 : i32
    %c0_i32_0 = arith.constant 0 : i32
    %c0_i32_1 = arith.constant 0 : i32
    return %c0_i32, %c0_i32_0 : i32, i32
  }
  func.func @transform_8(%arg0: i32) -> (i32, i32) {
    %c0_i32 = arith.constant 0 : i32
    %c0_i32_0 = arith.constant 0 : i32
    return %arg0, %c0_i32 : i32, i32
  }
  func.func @transform_9(%arg0: i32) -> (i32, i32) {
    %c0_i32 = arith.constant 0 : i32
    %c0_i32_0 = arith.constant 0 : i32
    return %arg0, %c0_i32 : i32, i32
  }
}

module attributes {stable_mosaic.version = 14 : i64} {
  func.func @_dec_body(%arg0: i32, %arg1: memref<1024x128xf32, #tpu.memory_space<vmem>>, %arg2: memref<1024x32xf32, #tpu.memory_space<vmem>>, %arg3: memref<1024x1xi32, #tpu.memory_space<vmem>>, %arg4: memref<32x256xf32, #tpu.memory_space<vmem>>, %arg5: memref<1x256xf32, #tpu.memory_space<vmem>>, %arg6: memref<256x256xf32, #tpu.memory_space<vmem>>, %arg7: memref<1x256xf32, #tpu.memory_space<vmem>>, %arg8: memref<256x128xf32, #tpu.memory_space<vmem>>, %arg9: memref<1x128xf32, #tpu.memory_space<vmem>>, %arg10: memref<1024x128xf32, #tpu.memory_space<vmem>>, %arg11: memref<1x1x32xf32, #tpu.memory_space<vmem>>, %arg12: memref<1024x1xi32, #tpu.memory_space<vmem>>) attributes {dimension_semantics = [#tpu.dimension_semantics<arbitrary>], iteration_bounds = array<i64: 16>, scalar_prefetch = 0 : i64, scratch_operands = 0 : i64, tpu.core_type = #tpu.core_type<tc>, window_params = [{transform_indices = @transform_0, window_bounds = array<i64: 1024, 128>}, {transform_indices = @transform_1, window_bounds = array<i64: 1024, 32>}, {transform_indices = @transform_2, window_bounds = array<i64: 1024, 1>}, {pipeline_mode = #tpu.pipeline_mode<synchronous>, transform_indices = @transform_3, window_bounds = array<i64: 32, 256>}, {pipeline_mode = #tpu.pipeline_mode<synchronous>, transform_indices = @transform_4, window_bounds = array<i64: 1, 256>}, {pipeline_mode = #tpu.pipeline_mode<synchronous>, transform_indices = @transform_5, window_bounds = array<i64: 256, 256>}, {pipeline_mode = #tpu.pipeline_mode<synchronous>, transform_indices = @transform_6, window_bounds = array<i64: 1, 256>}, {pipeline_mode = #tpu.pipeline_mode<synchronous>, transform_indices = @transform_7, window_bounds = array<i64: 256, 128>}, {pipeline_mode = #tpu.pipeline_mode<synchronous>, transform_indices = @transform_8, window_bounds = array<i64: 1, 128>}, {transform_indices = @transform_9, window_bounds = array<i64: 1024, 128>}, {transform_indices = @transform_10, window_bounds = array<i64: 1, 1, 32>}, {transform_indices = @transform_11, window_bounds = array<i64: 1024, 1>}]} {
    %get3A = arith.constant 0 : index
    %get3A_0 = arith.constant 0 : index
    %get3A_1 = vector.load %arg1[%get3A, %get3A_0] : memref<1024x128xf32, #tpu.memory_space<vmem>>, vector<1024x32xf32>
    %get3A_2 = arith.constant 0 : index
    %get3A_3 = arith.constant 0 : index
    %get3A_4 = vector.load %arg4[%get3A_2, %get3A_3] : memref<32x256xf32, #tpu.memory_space<vmem>>, vector<32x256xf32>
    %convert_element_type3A = arith.truncf %get3A_1 : vector<1024x32xf32> to vector<1024x32xbf16>
    %convert_element_type3A_5 = arith.truncf %get3A_4 : vector<32x256xf32> to vector<32x256xbf16>
    %dot_general3A = arith.constant dense<0.000000e+00> : vector<1024x256xf32>
    %dot_general3A_6 = tpu.matmul %convert_element_type3A, %convert_element_type3A_5, %dot_general3A {dimension_numbers = #tpu.dot_dimension_numbers<[1], [0], [0], [1], [0, 0, 1, 1], [], []>, transpose_lhs_hint = false} : vector<1024x32xbf16>, vector<32x256xbf16>, vector<1024x256xf32> -> vector<1024x256xf32>
    %get3A_7 = arith.constant 0 : index
    %get3A_8 = arith.constant 0 : index
    %get3A_9 = vector.load %arg5[%get3A_7, %get3A_8] : memref<1x256xf32, #tpu.memory_space<vmem>>, vector<1x256xf32>
    %add3A = vector.broadcast %get3A_9 : vector<1x256xf32> to vector<1024x256xf32>
    %add3A_10 = arith.addf %dot_general3A_6, %add3A : vector<1024x256xf32>
    %neg3A = arith.constant 0.000000e+00 : f32
    %neg3A_11 = vector.broadcast %neg3A : f32 to vector<1024x256xf32>
    %neg3A_12 = arith.subf %neg3A_11, %add3A_10 : vector<1024x256xf32>
    %mul3A = arith.constant 0.707106769 : f32
    %mul3A_13 = vector.broadcast %mul3A : f32 to vector<1024x256xf32>
    %mul3A_14 = arith.mulf %neg3A_12, %mul3A_13 : vector<1024x256xf32>
    %abs3A = math.absf %mul3A_14 : vector<1024x256xf32>
    %mul3A_15 = arith.mulf %mul3A_14, %mul3A_14 : vector<1024x256xf32>
    %mul3A_16 = arith.constant 7.85386146E-5 : f32
    %mul3A_17 = vector.broadcast %mul3A_16 : f32 to vector<1024x256xf32>
    %mul3A_18 = arith.mulf %mul3A_15, %mul3A_17 : vector<1024x256xf32>
    %add3A_19 = arith.constant -8.0101937E-4 : f32
    %add3A_20 = vector.broadcast %add3A_19 : f32 to vector<1024x256xf32>
    %add3A_21 = arith.addf %mul3A_18, %add3A_20 : vector<1024x256xf32>
    %mul3A_22 = arith.mulf %add3A_21, %mul3A_15 : vector<1024x256xf32>
    %add3A_23 = arith.constant 0.00518832775 : f32
    %add3A_24 = vector.broadcast %add3A_23 : f32 to vector<1024x256xf32>
    %add3A_25 = arith.addf %mul3A_22, %add3A_24 : vector<1024x256xf32>
    %mul3A_26 = arith.mulf %add3A_25, %mul3A_15 : vector<1024x256xf32>
    %add3A_27 = arith.constant -0.0268538129 : f32
    %add3A_28 = vector.broadcast %add3A_27 : f32 to vector<1024x256xf32>
    %add3A_29 = arith.addf %mul3A_26, %add3A_28 : vector<1024x256xf32>
    %mul3A_30 = arith.mulf %add3A_29, %mul3A_15 : vector<1024x256xf32>
    %add3A_31 = arith.constant 0.112835854 : f32
    %add3A_32 = vector.broadcast %add3A_31 : f32 to vector<1024x256xf32>
    %add3A_33 = arith.addf %mul3A_30, %add3A_32 : vector<1024x256xf32>
    %mul3A_34 = arith.mulf %add3A_33, %mul3A_15 : vector<1024x256xf32>
    %add3A_35 = arith.constant -0.37612626 : f32
    %add3A_36 = vector.broadcast %add3A_35 : f32 to vector<1024x256xf32>
    %add3A_37 = arith.addf %mul3A_34, %add3A_36 : vector<1024x256xf32>
    %mul3A_38 = arith.mulf %add3A_37, %mul3A_15 : vector<1024x256xf32>
    %add3A_39 = arith.constant 1.12837911 : f32
    %add3A_40 = vector.broadcast %add3A_39 : f32 to vector<1024x256xf32>
    %add3A_41 = arith.addf %mul3A_38, %add3A_40 : vector<1024x256xf32>
    %mul3A_42 = arith.mulf %mul3A_14, %add3A_41 : vector<1024x256xf32>
    %sub3A = arith.constant 1.000000e+00 : f32
    %sub3A_43 = vector.broadcast %sub3A : f32 to vector<1024x256xf32>
    %sub3A_44 = arith.subf %sub3A_43, %mul3A_42 : vector<1024x256xf32>
    %neg3A_45 = arith.constant 0.000000e+00 : f32
    %neg3A_46 = vector.broadcast %neg3A_45 : f32 to vector<1024x256xf32>
    %neg3A_47 = arith.subf %neg3A_46, %mul3A_15 : vector<1024x256xf32>
    %exp3A = math.exp %neg3A_47 : vector<1024x256xf32>
    %div3A = arith.constant 1.000000e+00 : f32
    %div3A_48 = vector.broadcast %div3A : f32 to vector<1024x256xf32>
    %div3A_49 = arith.divf %div3A_48, %abs3A : vector<1024x256xf32>
    %mul3A_50 = arith.mulf %exp3A, %div3A_49 : vector<1024x256xf32>
    %div3A_51 = arith.constant 1.000000e+00 : f32
    %div3A_52 = vector.broadcast %div3A_51 : f32 to vector<1024x256xf32>
    %div3A_53 = arith.divf %div3A_52, %mul3A_15 : vector<1024x256xf32>
    %mul3A_54 = arith.constant 2.326820e-02 : f32
    %mul3A_55 = vector.broadcast %mul3A_54 : f32 to vector<1024x256xf32>
    %mul3A_56 = arith.mulf %div3A_53, %mul3A_55 : vector<1024x256xf32>
    %add3A_57 = arith.constant -0.138703942 : f32
    %add3A_58 = vector.broadcast %add3A_57 : f32 to vector<1024x256xf32>
    %add3A_59 = arith.addf %mul3A_56, %add3A_58 : vector<1024x256xf32>
    %mul3A_60 = arith.mulf %add3A_59, %div3A_53 : vector<1024x256xf32>
    %add3A_61 = arith.constant 0.368742466 : f32
    %add3A_62 = vector.broadcast %add3A_61 : f32 to vector<1024x256xf32>
    %add3A_63 = arith.addf %mul3A_60, %add3A_62 : vector<1024x256xf32>
    %mul3A_64 = arith.mulf %add3A_63, %div3A_53 : vector<1024x256xf32>
    %add3A_65 = arith.constant -0.582473278 : f32
    %add3A_66 = vector.broadcast %add3A_65 : f32 to vector<1024x256xf32>
    %add3A_67 = arith.addf %mul3A_64, %add3A_66 : vector<1024x256xf32>
    %mul3A_68 = arith.mulf %add3A_67, %div3A_53 : vector<1024x256xf32>
    %add3A_69 = arith.constant 0.621000468 : f32
    %add3A_70 = vector.broadcast %add3A_69 : f32 to vector<1024x256xf32>
    %add3A_71 = arith.addf %mul3A_68, %add3A_70 : vector<1024x256xf32>
    %mul3A_72 = arith.mulf %add3A_71, %div3A_53 : vector<1024x256xf32>
    %add3A_73 = arith.constant -0.494451523 : f32
    %add3A_74 = vector.broadcast %add3A_73 : f32 to vector<1024x256xf32>
    %add3A_75 = arith.addf %mul3A_72, %add3A_74 : vector<1024x256xf32>
    %mul3A_76 = arith.mulf %add3A_75, %div3A_53 : vector<1024x256xf32>
    %add3A_77 = arith.constant 3.404880e-01 : f32
    %add3A_78 = vector.broadcast %add3A_77 : f32 to vector<1024x256xf32>
    %add3A_79 = arith.addf %mul3A_76, %add3A_78 : vector<1024x256xf32>
    %mul3A_80 = arith.mulf %add3A_79, %div3A_53 : vector<1024x256xf32>
    %add3A_81 = arith.constant -0.274112701 : f32
    %add3A_82 = vector.broadcast %add3A_81 : f32 to vector<1024x256xf32>
    %add3A_83 = arith.addf %mul3A_80, %add3A_82 : vector<1024x256xf32>
    %mul3A_84 = arith.mulf %add3A_83, %div3A_53 : vector<1024x256xf32>
    %add3A_85 = arith.constant 0.563825965 : f32
    %add3A_86 = vector.broadcast %add3A_85 : f32 to vector<1024x256xf32>
    %add3A_87 = arith.addf %mul3A_84, %add3A_86 : vector<1024x256xf32>
    %mul3A_88 = arith.constant -10.477664 : f32
    %mul3A_89 = vector.broadcast %mul3A_88 : f32 to vector<1024x256xf32>
    %mul3A_90 = arith.mulf %div3A_53, %mul3A_89 : vector<1024x256xf32>
    %add3A_91 = arith.constant 1.297720e+01 : f32
    %add3A_92 = vector.broadcast %add3A_91 : f32 to vector<1024x256xf32>
    %add3A_93 = arith.addf %mul3A_90, %add3A_92 : vector<1024x256xf32>
    %mul3A_94 = arith.mulf %add3A_93, %div3A_53 : vector<1024x256xf32>
    %add3A_95 = arith.constant -7.49551868 : f32
    %add3A_96 = vector.broadcast %add3A_95 : f32 to vector<1024x256xf32>
    %add3A_97 = arith.addf %mul3A_94, %add3A_96 : vector<1024x256xf32>
    %mul3A_98 = arith.mulf %add3A_97, %div3A_53 : vector<1024x256xf32>
    %add3A_99 = arith.constant 2.92101908 : f32
    %add3A_100 = vector.broadcast %add3A_99 : f32 to vector<1024x256xf32>
    %add3A_101 = arith.addf %mul3A_98, %add3A_100 : vector<1024x256xf32>
    %mul3A_102 = arith.mulf %add3A_101, %div3A_53 : vector<1024x256xf32>
    %add3A_103 = arith.constant -1.01526523 : f32
    %add3A_104 = vector.broadcast %add3A_103 : f32 to vector<1024x256xf32>
    %add3A_105 = arith.addf %mul3A_102, %add3A_104 : vector<1024x256xf32>
    %mul3A_106 = arith.mulf %add3A_105, %div3A_53 : vector<1024x256xf32>
    %add3A_107 = arith.constant 0.42184633 : f32
    %add3A_108 = vector.broadcast %add3A_107 : f32 to vector<1024x256xf32>
    %add3A_109 = arith.addf %mul3A_106, %add3A_108 : vector<1024x256xf32>
    %mul3A_110 = arith.mulf %add3A_109, %div3A_53 : vector<1024x256xf32>
    %add3A_111 = arith.constant -0.282076746 : f32
    %add3A_112 = vector.broadcast %add3A_111 : f32 to vector<1024x256xf32>
    %add3A_113 = arith.addf %mul3A_110, %add3A_112 : vector<1024x256xf32>
    %mul3A_114 = arith.mulf %add3A_113, %div3A_53 : vector<1024x256xf32>
    %add3A_115 = arith.constant 0.564189494 : f32
    %add3A_116 = vector.broadcast %add3A_115 : f32 to vector<1024x256xf32>
    %add3A_117 = arith.addf %mul3A_114, %add3A_116 : vector<1024x256xf32>
    %lt3A = arith.constant 2.000000e+00 : f32
    %lt3A_118 = vector.broadcast %lt3A : f32 to vector<1024x256xf32>
    %lt3A_119 = arith.cmpf olt, %abs3A, %lt3A_118 : vector<1024x256xf32>
    %select_n3A = arith.select %lt3A_119, %add3A_87, %add3A_117 : vector<1024x256xi1>, vector<1024x256xf32>
    %mul3A_120 = arith.mulf %mul3A_50, %select_n3A : vector<1024x256xf32>
    %lt3A_121 = arith.constant -88.7228394 : f32
    %lt3A_122 = vector.broadcast %lt3A_121 : f32 to vector<1024x256xf32>
    %lt3A_123 = arith.cmpf olt, %neg3A_47, %lt3A_122 : vector<1024x256xf32>
    %jit3A = arith.constant 0.000000e+00 : f32
    %broadcast_in_dim3A = vector.broadcast %jit3A : f32 to vector<1024x256xf32>
    %select_n3A_124 = arith.select %lt3A_123, %broadcast_in_dim3A, %mul3A_120 : vector<1024x256xi1>, vector<1024x256xf32>
    %lt3A_125 = arith.constant 0.000000e+00 : f32
    %lt3A_126 = vector.broadcast %lt3A_125 : f32 to vector<1024x256xf32>
    %lt3A_127 = arith.cmpf olt, %mul3A_14, %lt3A_126 : vector<1024x256xf32>
    %sub3A_128 = arith.constant 2.000000e+00 : f32
    %sub3A_129 = vector.broadcast %sub3A_128 : f32 to vector<1024x256xf32>
    %sub3A_130 = arith.subf %sub3A_129, %select_n3A_124 : vector<1024x256xf32>
    %select_n3A_131 = arith.select %lt3A_127, %sub3A_130, %select_n3A_124 : vector<1024x256xi1>, vector<1024x256xf32>
    %lt3A_132 = arith.constant 1.000000e+00 : f32
    %lt3A_133 = vector.broadcast %lt3A_132 : f32 to vector<1024x256xf32>
    %lt3A_134 = arith.cmpf olt, %abs3A, %lt3A_133 : vector<1024x256xf32>
    %select_n3A_135 = arith.select %lt3A_134, %sub3A_44, %select_n3A_131 : vector<1024x256xi1>, vector<1024x256xf32>
    %mul3A_136 = arith.constant 5.000000e-01 : f32
    %mul3A_137 = vector.broadcast %mul3A_136 : f32 to vector<1024x256xf32>
    %mul3A_138 = arith.mulf %add3A_10, %mul3A_137 : vector<1024x256xf32>
    %mul3A_139 = arith.mulf %mul3A_138, %select_n3A_135 : vector<1024x256xf32>
    %get3A_140 = arith.constant 0 : index
    %get3A_141 = arith.constant 0 : index
    %get3A_142 = vector.load %arg6[%get3A_140, %get3A_141] : memref<256x256xf32, #tpu.memory_space<vmem>>, vector<256x256xf32>
    %convert_element_type3A_143 = arith.truncf %mul3A_139 : vector<1024x256xf32> to vector<1024x256xbf16>
    %convert_element_type3A_144 = arith.truncf %get3A_142 : vector<256x256xf32> to vector<256x256xbf16>
    %dot_general3A_145 = arith.constant dense<0.000000e+00> : vector<1024x256xf32>
    %dot_general3A_146 = tpu.matmul %convert_element_type3A_143, %convert_element_type3A_144, %dot_general3A_145 {dimension_numbers = #tpu.dot_dimension_numbers<[1], [0], [0], [1], [0, 0, 1, 1], [], []>, transpose_lhs_hint = false} : vector<1024x256xbf16>, vector<256x256xbf16>, vector<1024x256xf32> -> vector<1024x256xf32>
    %get3A_147 = arith.constant 0 : index
    %get3A_148 = arith.constant 0 : index
    %get3A_149 = vector.load %arg7[%get3A_147, %get3A_148] : memref<1x256xf32, #tpu.memory_space<vmem>>, vector<1x256xf32>
    %add3A_150 = vector.broadcast %get3A_149 : vector<1x256xf32> to vector<1024x256xf32>
    %add3A_151 = arith.addf %dot_general3A_146, %add3A_150 : vector<1024x256xf32>
    %neg3A_152 = arith.constant 0.000000e+00 : f32
    %neg3A_153 = vector.broadcast %neg3A_152 : f32 to vector<1024x256xf32>
    %neg3A_154 = arith.subf %neg3A_153, %add3A_151 : vector<1024x256xf32>
    %mul3A_155 = arith.constant 0.707106769 : f32
    %mul3A_156 = vector.broadcast %mul3A_155 : f32 to vector<1024x256xf32>
    %mul3A_157 = arith.mulf %neg3A_154, %mul3A_156 : vector<1024x256xf32>
    %abs3A_158 = math.absf %mul3A_157 : vector<1024x256xf32>
    %mul3A_159 = arith.mulf %mul3A_157, %mul3A_157 : vector<1024x256xf32>
    %mul3A_160 = arith.constant 7.85386146E-5 : f32
    %mul3A_161 = vector.broadcast %mul3A_160 : f32 to vector<1024x256xf32>
    %mul3A_162 = arith.mulf %mul3A_159, %mul3A_161 : vector<1024x256xf32>
    %add3A_163 = arith.constant -8.0101937E-4 : f32
    %add3A_164 = vector.broadcast %add3A_163 : f32 to vector<1024x256xf32>
    %add3A_165 = arith.addf %mul3A_162, %add3A_164 : vector<1024x256xf32>
    %mul3A_166 = arith.mulf %add3A_165, %mul3A_159 : vector<1024x256xf32>
    %add3A_167 = arith.constant 0.00518832775 : f32
    %add3A_168 = vector.broadcast %add3A_167 : f32 to vector<1024x256xf32>
    %add3A_169 = arith.addf %mul3A_166, %add3A_168 : vector<1024x256xf32>
    %mul3A_170 = arith.mulf %add3A_169, %mul3A_159 : vector<1024x256xf32>
    %add3A_171 = arith.constant -0.0268538129 : f32
    %add3A_172 = vector.broadcast %add3A_171 : f32 to vector<1024x256xf32>
    %add3A_173 = arith.addf %mul3A_170, %add3A_172 : vector<1024x256xf32>
    %mul3A_174 = arith.mulf %add3A_173, %mul3A_159 : vector<1024x256xf32>
    %add3A_175 = arith.constant 0.112835854 : f32
    %add3A_176 = vector.broadcast %add3A_175 : f32 to vector<1024x256xf32>
    %add3A_177 = arith.addf %mul3A_174, %add3A_176 : vector<1024x256xf32>
    %mul3A_178 = arith.mulf %add3A_177, %mul3A_159 : vector<1024x256xf32>
    %add3A_179 = arith.constant -0.37612626 : f32
    %add3A_180 = vector.broadcast %add3A_179 : f32 to vector<1024x256xf32>
    %add3A_181 = arith.addf %mul3A_178, %add3A_180 : vector<1024x256xf32>
    %mul3A_182 = arith.mulf %add3A_181, %mul3A_159 : vector<1024x256xf32>
    %add3A_183 = arith.constant 1.12837911 : f32
    %add3A_184 = vector.broadcast %add3A_183 : f32 to vector<1024x256xf32>
    %add3A_185 = arith.addf %mul3A_182, %add3A_184 : vector<1024x256xf32>
    %mul3A_186 = arith.mulf %mul3A_157, %add3A_185 : vector<1024x256xf32>
    %sub3A_187 = arith.constant 1.000000e+00 : f32
    %sub3A_188 = vector.broadcast %sub3A_187 : f32 to vector<1024x256xf32>
    %sub3A_189 = arith.subf %sub3A_188, %mul3A_186 : vector<1024x256xf32>
    %neg3A_190 = arith.constant 0.000000e+00 : f32
    %neg3A_191 = vector.broadcast %neg3A_190 : f32 to vector<1024x256xf32>
    %neg3A_192 = arith.subf %neg3A_191, %mul3A_159 : vector<1024x256xf32>
    %exp3A_193 = math.exp %neg3A_192 : vector<1024x256xf32>
    %div3A_194 = arith.constant 1.000000e+00 : f32
    %div3A_195 = vector.broadcast %div3A_194 : f32 to vector<1024x256xf32>
    %div3A_196 = arith.divf %div3A_195, %abs3A_158 : vector<1024x256xf32>
    %mul3A_197 = arith.mulf %exp3A_193, %div3A_196 : vector<1024x256xf32>
    %div3A_198 = arith.constant 1.000000e+00 : f32
    %div3A_199 = vector.broadcast %div3A_198 : f32 to vector<1024x256xf32>
    %div3A_200 = arith.divf %div3A_199, %mul3A_159 : vector<1024x256xf32>
    %mul3A_201 = arith.constant 2.326820e-02 : f32
    %mul3A_202 = vector.broadcast %mul3A_201 : f32 to vector<1024x256xf32>
    %mul3A_203 = arith.mulf %div3A_200, %mul3A_202 : vector<1024x256xf32>
    %add3A_204 = arith.constant -0.138703942 : f32
    %add3A_205 = vector.broadcast %add3A_204 : f32 to vector<1024x256xf32>
    %add3A_206 = arith.addf %mul3A_203, %add3A_205 : vector<1024x256xf32>
    %mul3A_207 = arith.mulf %add3A_206, %div3A_200 : vector<1024x256xf32>
    %add3A_208 = arith.constant 0.368742466 : f32
    %add3A_209 = vector.broadcast %add3A_208 : f32 to vector<1024x256xf32>
    %add3A_210 = arith.addf %mul3A_207, %add3A_209 : vector<1024x256xf32>
    %mul3A_211 = arith.mulf %add3A_210, %div3A_200 : vector<1024x256xf32>
    %add3A_212 = arith.constant -0.582473278 : f32
    %add3A_213 = vector.broadcast %add3A_212 : f32 to vector<1024x256xf32>
    %add3A_214 = arith.addf %mul3A_211, %add3A_213 : vector<1024x256xf32>
    %mul3A_215 = arith.mulf %add3A_214, %div3A_200 : vector<1024x256xf32>
    %add3A_216 = arith.constant 0.621000468 : f32
    %add3A_217 = vector.broadcast %add3A_216 : f32 to vector<1024x256xf32>
    %add3A_218 = arith.addf %mul3A_215, %add3A_217 : vector<1024x256xf32>
    %mul3A_219 = arith.mulf %add3A_218, %div3A_200 : vector<1024x256xf32>
    %add3A_220 = arith.constant -0.494451523 : f32
    %add3A_221 = vector.broadcast %add3A_220 : f32 to vector<1024x256xf32>
    %add3A_222 = arith.addf %mul3A_219, %add3A_221 : vector<1024x256xf32>
    %mul3A_223 = arith.mulf %add3A_222, %div3A_200 : vector<1024x256xf32>
    %add3A_224 = arith.constant 3.404880e-01 : f32
    %add3A_225 = vector.broadcast %add3A_224 : f32 to vector<1024x256xf32>
    %add3A_226 = arith.addf %mul3A_223, %add3A_225 : vector<1024x256xf32>
    %mul3A_227 = arith.mulf %add3A_226, %div3A_200 : vector<1024x256xf32>
    %add3A_228 = arith.constant -0.274112701 : f32
    %add3A_229 = vector.broadcast %add3A_228 : f32 to vector<1024x256xf32>
    %add3A_230 = arith.addf %mul3A_227, %add3A_229 : vector<1024x256xf32>
    %mul3A_231 = arith.mulf %add3A_230, %div3A_200 : vector<1024x256xf32>
    %add3A_232 = arith.constant 0.563825965 : f32
    %add3A_233 = vector.broadcast %add3A_232 : f32 to vector<1024x256xf32>
    %add3A_234 = arith.addf %mul3A_231, %add3A_233 : vector<1024x256xf32>
    %mul3A_235 = arith.constant -10.477664 : f32
    %mul3A_236 = vector.broadcast %mul3A_235 : f32 to vector<1024x256xf32>
    %mul3A_237 = arith.mulf %div3A_200, %mul3A_236 : vector<1024x256xf32>
    %add3A_238 = arith.constant 1.297720e+01 : f32
    %add3A_239 = vector.broadcast %add3A_238 : f32 to vector<1024x256xf32>
    %add3A_240 = arith.addf %mul3A_237, %add3A_239 : vector<1024x256xf32>
    %mul3A_241 = arith.mulf %add3A_240, %div3A_200 : vector<1024x256xf32>
    %add3A_242 = arith.constant -7.49551868 : f32
    %add3A_243 = vector.broadcast %add3A_242 : f32 to vector<1024x256xf32>
    %add3A_244 = arith.addf %mul3A_241, %add3A_243 : vector<1024x256xf32>
    %mul3A_245 = arith.mulf %add3A_244, %div3A_200 : vector<1024x256xf32>
    %add3A_246 = arith.constant 2.92101908 : f32
    %add3A_247 = vector.broadcast %add3A_246 : f32 to vector<1024x256xf32>
    %add3A_248 = arith.addf %mul3A_245, %add3A_247 : vector<1024x256xf32>
    %mul3A_249 = arith.mulf %add3A_248, %div3A_200 : vector<1024x256xf32>
    %add3A_250 = arith.constant -1.01526523 : f32
    %add3A_251 = vector.broadcast %add3A_250 : f32 to vector<1024x256xf32>
    %add3A_252 = arith.addf %mul3A_249, %add3A_251 : vector<1024x256xf32>
    %mul3A_253 = arith.mulf %add3A_252, %div3A_200 : vector<1024x256xf32>
    %add3A_254 = arith.constant 0.42184633 : f32
    %add3A_255 = vector.broadcast %add3A_254 : f32 to vector<1024x256xf32>
    %add3A_256 = arith.addf %mul3A_253, %add3A_255 : vector<1024x256xf32>
    %mul3A_257 = arith.mulf %add3A_256, %div3A_200 : vector<1024x256xf32>
    %add3A_258 = arith.constant -0.282076746 : f32
    %add3A_259 = vector.broadcast %add3A_258 : f32 to vector<1024x256xf32>
    %add3A_260 = arith.addf %mul3A_257, %add3A_259 : vector<1024x256xf32>
    %mul3A_261 = arith.mulf %add3A_260, %div3A_200 : vector<1024x256xf32>
    %add3A_262 = arith.constant 0.564189494 : f32
    %add3A_263 = vector.broadcast %add3A_262 : f32 to vector<1024x256xf32>
    %add3A_264 = arith.addf %mul3A_261, %add3A_263 : vector<1024x256xf32>
    %lt3A_265 = arith.constant 2.000000e+00 : f32
    %lt3A_266 = vector.broadcast %lt3A_265 : f32 to vector<1024x256xf32>
    %lt3A_267 = arith.cmpf olt, %abs3A_158, %lt3A_266 : vector<1024x256xf32>
    %select_n3A_268 = arith.select %lt3A_267, %add3A_234, %add3A_264 : vector<1024x256xi1>, vector<1024x256xf32>
    %mul3A_269 = arith.mulf %mul3A_197, %select_n3A_268 : vector<1024x256xf32>
    %lt3A_270 = arith.constant -88.7228394 : f32
    %lt3A_271 = vector.broadcast %lt3A_270 : f32 to vector<1024x256xf32>
    %lt3A_272 = arith.cmpf olt, %neg3A_192, %lt3A_271 : vector<1024x256xf32>
    %jit3A_273 = arith.constant 0.000000e+00 : f32
    %broadcast_in_dim3A_274 = vector.broadcast %jit3A_273 : f32 to vector<1024x256xf32>
    %select_n3A_275 = arith.select %lt3A_272, %broadcast_in_dim3A_274, %mul3A_269 : vector<1024x256xi1>, vector<1024x256xf32>
    %lt3A_276 = arith.constant 0.000000e+00 : f32
    %lt3A_277 = vector.broadcast %lt3A_276 : f32 to vector<1024x256xf32>
    %lt3A_278 = arith.cmpf olt, %mul3A_157, %lt3A_277 : vector<1024x256xf32>
    %sub3A_279 = arith.constant 2.000000e+00 : f32
    %sub3A_280 = vector.broadcast %sub3A_279 : f32 to vector<1024x256xf32>
    %sub3A_281 = arith.subf %sub3A_280, %select_n3A_275 : vector<1024x256xf32>
    %select_n3A_282 = arith.select %lt3A_278, %sub3A_281, %select_n3A_275 : vector<1024x256xi1>, vector<1024x256xf32>
    %lt3A_283 = arith.constant 1.000000e+00 : f32
    %lt3A_284 = vector.broadcast %lt3A_283 : f32 to vector<1024x256xf32>
    %lt3A_285 = arith.cmpf olt, %abs3A_158, %lt3A_284 : vector<1024x256xf32>
    %select_n3A_286 = arith.select %lt3A_285, %sub3A_189, %select_n3A_282 : vector<1024x256xi1>, vector<1024x256xf32>
    %mul3A_287 = arith.constant 5.000000e-01 : f32
    %mul3A_288 = vector.broadcast %mul3A_287 : f32 to vector<1024x256xf32>
    %mul3A_289 = arith.mulf %add3A_151, %mul3A_288 : vector<1024x256xf32>
    %mul3A_290 = arith.mulf %mul3A_289, %select_n3A_286 : vector<1024x256xf32>
    %get3A_291 = arith.constant 0 : index
    %get3A_292 = arith.constant 0 : index
    %get3A_293 = vector.load %arg8[%get3A_291, %get3A_292] : memref<256x128xf32, #tpu.memory_space<vmem>>, vector<256x128xf32>
    %convert_element_type3A_294 = arith.truncf %mul3A_290 : vector<1024x256xf32> to vector<1024x256xbf16>
    %convert_element_type3A_295 = arith.truncf %get3A_293 : vector<256x128xf32> to vector<256x128xbf16>
    %dot_general3A_296 = arith.constant dense<0.000000e+00> : vector<1024x128xf32>
    %dot_general3A_297 = tpu.matmul %convert_element_type3A_294, %convert_element_type3A_295, %dot_general3A_296 {dimension_numbers = #tpu.dot_dimension_numbers<[1], [0], [0], [1], [0, 0, 1, 1], [], []>, transpose_lhs_hint = false} : vector<1024x256xbf16>, vector<256x128xbf16>, vector<1024x128xf32> -> vector<1024x128xf32>
    %get3A_298 = arith.constant 0 : index
    %get3A_299 = arith.constant 0 : index
    %get3A_300 = vector.load %arg9[%get3A_298, %get3A_299] : memref<1x128xf32, #tpu.memory_space<vmem>>, vector<1x128xf32>
    %add3A_301 = vector.broadcast %get3A_300 : vector<1x128xf32> to vector<1024x128xf32>
    %add3A_302 = arith.addf %dot_general3A_297, %add3A_301 : vector<1024x128xf32>
    %swap3A = arith.constant 0 : index
    %swap3A_303 = arith.constant 0 : index
    %swap3A_304 = vector.load %arg10[%swap3A, %swap3A_303] : memref<1024x128xf32, #tpu.memory_space<vmem>>, vector<1024x128xf32>
    tpu.vector_store %arg10[%swap3A, %swap3A_303], %add3A_302 {strides = array<i32>} : memref<1024x128xf32, #tpu.memory_space<vmem>>, vector<1024x128xf32>,
    %get3A_305 = arith.constant 0 : index
    %get3A_306 = arith.constant 0 : index
    %get3A_307 = vector.load %arg2[%get3A_305, %get3A_306] : memref<1024x32xf32, #tpu.memory_space<vmem>>, vector<1024x32xf32>
    %sub3A_308 = arith.subf %get3A_307, %get3A_1 : vector<1024x32xf32>
    %mul3A_309 = arith.mulf %sub3A_308, %sub3A_308 : vector<1024x32xf32>
    %reduce_sum3A = arith.constant dense<0.000000e+00> : vector<32xf32>
    %reduce_sum3A_310 = vector.multi_reduction <add>, %mul3A_309, %reduce_sum3A [0] : vector<1024x32xf32> to vector<32xf32>
    %broadcast_in_dim3A_311 = vector.shape_cast %reduce_sum3A_310 : vector<32xf32> to vector<1x32xf32>
    %broadcast_in_dim3A_312 = vector.shape_cast %broadcast_in_dim3A_311 : vector<1x32xf32> to vector<1x1x32xf32>
    %swap3A_313 = arith.constant 0 : index
    %swap3A_314 = arith.constant 0 : index
    %swap3A_315 = arith.constant 0 : index
    %swap3A_316 = vector.load %arg11[%swap3A_313, %swap3A_314, %swap3A_315] : memref<1x1x32xf32, #tpu.memory_space<vmem>>, vector<1x1x32xf32>
    tpu.vector_store %arg11[%swap3A_313, %swap3A_314, %swap3A_315], %broadcast_in_dim3A_312 {strides = array<i32>} : memref<1x1x32xf32, #tpu.memory_space<vmem>>, vector<1x1x32xf32>,
    %get3A_317 = arith.constant 0 : index
    %get3A_318 = arith.constant 0 : index
    %get3A_319 = vector.load %arg3[%get3A_317, %get3A_318] : memref<1024x1xi32, #tpu.memory_space<vmem>>, vector<1024x1xi32>
    %swap3A_320 = arith.constant 0 : index
    %swap3A_321 = arith.constant 0 : index
    %swap3A_322 = vector.load %arg12[%swap3A_320, %swap3A_321] : memref<1024x1xi32, #tpu.memory_space<vmem>>, vector<1024x1xi32>
    tpu.vector_store %arg12[%swap3A_320, %swap3A_321], %get3A_319 {strides = array<i32>} : memref<1024x1xi32, #tpu.memory_space<vmem>>, vector<1024x1xi32>,
    return
  }
  func.func @transform_0(%arg0: i32) -> (i32, i32) {
    %c0_i32 = arith.constant 0 : i32
    %c0_i32_0 = arith.constant 0 : i32
    return %arg0, %c0_i32 : i32, i32
  }
  func.func @transform_1(%arg0: i32) -> (i32, i32) {
    %c0_i32 = arith.constant 0 : i32
    %c0_i32_0 = arith.constant 0 : i32
    return %arg0, %c0_i32 : i32, i32
  }
  func.func @transform_2(%arg0: i32) -> (i32, i32) {
    %c0_i32 = arith.constant 0 : i32
    %c0_i32_0 = arith.constant 0 : i32
    return %arg0, %c0_i32 : i32, i32
  }
  func.func @transform_3(%arg0: i32) -> (i32, i32) {
    %c0_i32 = arith.constant 0 : i32
    %c0_i32_0 = arith.constant 0 : i32
    %c0_i32_1 = arith.constant 0 : i32
    return %c0_i32, %c0_i32_0 : i32, i32
  }
  func.func @transform_4(%arg0: i32) -> (i32, i32) {
    %c0_i32 = arith.constant 0 : i32
    %c0_i32_0 = arith.constant 0 : i32
    %c0_i32_1 = arith.constant 0 : i32
    return %c0_i32, %c0_i32_0 : i32, i32
  }
  func.func @transform_5(%arg0: i32) -> (i32, i32) {
    %c0_i32 = arith.constant 0 : i32
    %c0_i32_0 = arith.constant 0 : i32
    %c0_i32_1 = arith.constant 0 : i32
    return %c0_i32, %c0_i32_0 : i32, i32
  }
  func.func @transform_6(%arg0: i32) -> (i32, i32) {
    %c0_i32 = arith.constant 0 : i32
    %c0_i32_0 = arith.constant 0 : i32
    %c0_i32_1 = arith.constant 0 : i32
    return %c0_i32, %c0_i32_0 : i32, i32
  }
  func.func @transform_7(%arg0: i32) -> (i32, i32) {
    %c0_i32 = arith.constant 0 : i32
    %c0_i32_0 = arith.constant 0 : i32
    %c0_i32_1 = arith.constant 0 : i32
    return %c0_i32, %c0_i32_0 : i32, i32
  }
  func.func @transform_8(%arg0: i32) -> (i32, i32) {
    %c0_i32 = arith.constant 0 : i32
    %c0_i32_0 = arith.constant 0 : i32
    %c0_i32_1 = arith.constant 0 : i32
    return %c0_i32, %c0_i32_0 : i32, i32
  }
  func.func @transform_9(%arg0: i32) -> (i32, i32) {
    %c0_i32 = arith.constant 0 : i32
    %c0_i32_0 = arith.constant 0 : i32
    return %arg0, %c0_i32 : i32, i32
  }
  func.func @transform_10(%arg0: i32) -> (i32, i32, i32) {
    %c0_i32 = arith.constant 0 : i32
    %c0_i32_0 = arith.constant 0 : i32
    %c0_i32_1 = arith.constant 0 : i32
    return %arg0, %c0_i32, %c0_i32_0 : i32, i32, i32
  }
  func.func @transform_11(%arg0: i32) -> (i32, i32) {
    %c0_i32 = arith.constant 0 : i32
    %c0_i32_0 = arith.constant 0 : i32
    return %arg0, %c0_i32 : i32, i32
  }
}

</mosaic_0001>

<sc_bundles>
// kernel: kernel.5.cloned.1.call-start
scs
__scs_entry_jumppad:
0x0: {  	(pc) =	sbr.rel $0x88, $3  }
0x1: {  	(tag) =	ssettag $0x0;
	lr =	simm.s32 $0x1  }
0x2: {  	[smem:$0x3F93] =	sst lr;
	_ =	strace $0xD0000000  }
0x3: {  	_ = 	snop  }
0x4: {  	_ = 	snop  }
0x5: {  	_ = 	snop  }
0x6: {  	_ = 	snop  }
0x7: {  	_ = 	snop  }
__scs_overlays_trampoline_lowered:
0x8: {  	[smem:$0x3FA2] =	sst s0  }
0x9: {  	[smem:$0x3FA3] =	sst s1  }
0xa: {  	[smem:$0x3FA4] =	sst s2  }
0xb: {  	[smem:$0x3FA5] =	sst s3  }
0xc: {  	[smem:$0x3FA6] =	sst s4  }
0xd: {  	[smem:$0x3FA7] =	sst s5  }
0xe: {  	[smem:$0x3FA8] =	sst s6  }
0xf: {  	[smem:$0x3FA9] =	sst s7  }
0x10: {  	[smem:$0x3FAA] =	sst s8  }
0x11: {  	[smem:$0x3FAB] =	sst s9;
	s0 =	simm.s32 @!p0 $0x0  }
0x12: {  	s1 =	sld [smem:$0x3F91];
	s0 =	simm.s32 @p0 $0x1  }
0x13: {  	[smem:$0x3FAC] =	sst s0;
	s0 =	simm.s32 @!p1 $0x0  }
0x14: {  	s2 =	sld [smem:$0x3F90];
	s0 =	simm.s32 @p1 $0x1  }
0x15: {  	[smem:$0x3FAD] =	sst s0;
	s0 =	simm.s32 @!p2 $0x0  }
0x16: {  	s3 =	sld [smem:$0x3FDB];
	s0 =	simm.s32 @p2 $0x1  }
0x17: {  	s4 =	simm.s32 $0x1BF5;
	[smem:$0x3FAF] =	sst s0  }
0x18: {  	s0 =	sld [smem:$0x3F92];
	_ =	swait.ge [sflag:s4], $0x0  }
0x19: {  	s7 =	sld [smem:$0x3F93]  }
0x1a: {  	s8 =	sadd.s32 $0xFFFFE003, lr  }
0x1b: {  	s9 =	sadd.s32 $0xFFFFFEF7, lr;
	s5 =	simm.s32 $0xFFFFFFFF;
	p2 =	slt.u32 s8, $0xFFFFF086  }
0x1c: {  	p1 =	slt.u32 s9, $0xF7A;
	s5 =	simm.s32 @!p2 $0x0  }
0x1d: {  	s5 =	simm.s32 @p1 $0x1;
	p0 =	seq.s32 s7, s2  }
0x1e: {  	s7 =	smul.u32 @!p0 $0xF7A, s2;
	p2 =	seq.s32 @!p0 s5, $0x0  }
0x1f: {  	s9 =	smul.u32 $0xF7A, s1;
	s8 =	simm.s32 @!p0 $0x1BF5;
	p2 =	por !p2, p0  }
0x20: {  	[sflag:s8] =	ssyncset.s32 @!p0 $0xFFFFF086;
	s6 =	sadd.s32 @!p0 s3, s7;
	s7 =	simm.s32 @!p0 $0x108  }
0x21: {  	s3 =	sadd.s32 s3, s9;
	s6 =	sadd.s32 @!p0 $0x88, s6;
	s7 =	simm.s32 @p2 $0x1082  }
0x22: {  	[simem:s7], [sflag:s8] =	dma.local @!p0 [hbm:s6], $0xF7A  }
0x23: {  	s9 =	sor.u32 $0xD0000000, s2;
	s6 =	simm.s32 $0x108;
	_ =	swait.ge @!p0 [sflag:s8], $0x0  }
0x24: {  	s3 =	sadd.s32 $0x88, s3;
	s6 =	simm.s32 @!p1 $0x1082;
	[sflag:s4] =	ssyncset.s32 $0xFFFFF086  }
0x25: {  	[simem:s6], [sflag:s4] =	dma.local [hbm:s3], $0xF7A  }
0x26: {  	[smem:$0x3F93] =	sst s1;
	(tag) =	ssettag s2;
	_ =	strace s9  }
0x27: {  	s1 =	sld [smem:$0x3FA3]  }
0x28: {  	s2 =	sld [smem:$0x3FA4]  }
0x29: {  	s4 =	sld [smem:$0x3FA6]  }
0x2a: {  	p0 =	seq.s32 s5, $0x0;
	s5 =	sld [smem:$0x3FA7]  }
0x2b: {  	s6 =	sld [smem:$0x3FA8]  }
0x2c: {  	s7 =	sld [smem:$0x3FA9]  }
0x2d: {  	s3 =	simm.s32 $0x108;
	s8 =	sld [smem:$0x3FAA]  }
0x2e: {  	s3 =	simm.s32 @!p0 $0x1082;
	s9 =	sld [smem:$0x3FAB]  }
0x2f: {  	lr =	sadd.s32 s0, s3;
	s0 =	sld [smem:$0x3FA2]  }
0x30: {  	s3 =	sld [smem:$0x3FA5]  }
0x31: {  	[smem:$0x3FAE] =	sst s10  }
0x32: {  	s10 =	sld [smem:$0x3FAC];
	_ =	sdelay $0x3  }
0x33: {  	p0 =	seq.s32 s10, $0x1;
	s10 =	sld [smem:$0x3FAE];
	_ =	sdelay $0x3  }
0x34: {  	[smem:$0x3FAE] =	sst s10  }
0x35: {  	s10 =	sld [smem:$0x3FAD];
	_ =	sdelay $0x3  }
0x36: {  	p1 =	seq.s32 s10, $0x1;
	s10 =	sld [smem:$0x3FAE];
	_ =	sdelay $0x3  }
0x37: {  	[smem:$0x3FAE] =	sst s10  }
0x38: {  	s10 =	sld [smem:$0x3FAF]  }
0x39: {  	_ = 	snop;
	(pc) =	sbr.ind lr, $3  }
0x3a: {  	_ = 	snop  }
0x3b: {  	_ = 	snop  }
0x3c: {  	p2 =	seq.s32 s10, $0x1;
	s10 =	sld [smem:$0x3FAE]  }
0x3d: {  	_ =	shalt  }
0x3e: {  	_ =	shalt  }
0x3f: {  	_ =	shalt  }
0x40: {  	_ =	shalt  }
0x41: {  	_ =	shalt  }
0x42: {  	_ =	shalt  }
0x43: {  	_ =	shalt  }
0x44: {  	_ =	shalt  }
0x45: {  	_ =	shalt  }
0x46: {  	_ =	shalt  }
0x47: {  	_ =	shalt  }
0x48: {  	_ =	shalt  }
0x49: {  	_ =	shalt  }
0x4a: {  	_ =	shalt  }
0x4b: {  	_ =	shalt  }
0x4c: {  	_ =	shalt  }
0x4d: {  	_ =	shalt  }
0x4e: {  	_ =	shalt  }
0x4f: {  	_ =	shalt  }
0x50: {  	_ =	shalt  }
0x51: {  	_ =	shalt  }
0x52: {  	_ =	shalt  }
0x53: {  	_ =	shalt  }
0x54: {  	_ =	shalt  }
0x55: {  	_ =	shalt  }
0x56: {  	_ =	shalt  }
0x57: {  	_ =	shalt  }
0x58: {  	_ =	shalt  }
0x59: {  	_ =	shalt  }
0x5a: {  	_ =	shalt  }
0x5b: {  	_ =	shalt  }
0x5c: {  	_ =	shalt  }
0x5d: {  	_ =	shalt  }
0x5e: {  	_ =	shalt  }
0x5f: {  	_ =	shalt  }
0x60: {  	_ =	shalt  }
0x61: {  	_ =	shalt  }
0x62: {  	_ =	shalt  }
0x63: {  	_ =	shalt  }
0x64: {  	_ =	shalt  }
0x65: {  	_ =	shalt  }
0x66: {  	_ =	shalt  }
0x67: {  	_ =	shalt  }
0x68: {  	_ =	shalt  }
0x69: {  	_ =	shalt  }
0x6a: {  	_ =	shalt  }
0x6b: {  	_ =	shalt  }
0x6c: {  	_ =	shalt  }
0x6d: {  	_ =	shalt  }
0x6e: {  	_ =	shalt  }
0x6f: {  	_ =	shalt  }
0x70: {  	_ =	shalt  }
0x71: {  	_ =	shalt  }
0x72: {  	_ =	shalt  }
0x73: {  	_ =	shalt  }
0x74: {  	_ =	shalt  }
0x75: {  	_ =	shalt  }
0x76: {  	_ =	shalt  }
0x77: {  	_ =	shalt  }
0x78: {  	_ =	shalt  }
0x79: {  	_ =	shalt  }
0x7a: {  	_ =	shalt  }
0x7b: {  	_ =	shalt  }
0x7c: {  	_ =	shalt  }
0x7d: {  	_ =	shalt  }
0x7e: {  	_ =	shalt  }
0x7f: {  	_ =	shalt  }
0x80: {  	_ =	shalt  }
0x81: {  	_ =	shalt  }
0x82: {  	_ =	shalt  }
0x83: {  	_ =	shalt  }
0x84: {  	_ =	shalt  }
0x85: {  	_ =	shalt  }
0x86: {  	_ =	shalt  }
0x87: {  	_ =	shalt  }
.Lfunc_end0:
.L_simem_size_0:
called_computation_lowered:
.L_overlay_start_0:
0x88: {  	s2 =	sld [smem:$0x3FD9]  }
0x89: {  	s3 =	sld [smem:$0x3FFE];
	_ =	sdelay $0x1  }
0x8a: {  	s1 =	srdreg.scid  }
0x8b: {  	s0 =	sand.u32 $0x1, s1  }
0x8c: {  	s14 =	sshll.u32 s0, $0xA;
	s2 =	sadd.s32 s3, s2  }
0x8d: {  	s2 =	sadd.s32 s2, s14  }
0x8e: {  	[smem:$0x3FBA] =	sst s2  }
0x8f: {  	_ = 	snop  }
0x90: {  	s2 =	sld [smem:$0x3FD0];
	_ =	sdelay $0x2  }
0x91: {  	s15 =	simm.s32 $0xA;
	s4 =	simm.s32 $0x10  }
0x92: {  	[smem:s4], [sflag:s15] =	dma.local [hbm:s2], $0x1  }
0x93: {  	_ =	swait.eq [sflag:s15], $0x1  }
0x94: {  	[sflag:s15] =	ssyncset.done $0x0  }
0x95: {  	s16 =	sld [smem:$0x10];
	[sflag:s15] =	ssyncadd.s32 $0xFFFFFFFF  }
0x96: {  	s17 =	sld [smem:$0x12];
	(tm) =	ssettm $0x1  }
0x97: {  	s18 =	sld [smem:$0x3FFB];
	_ =	sdelay $0x3  }
0x98: {  	_ =	strace s18  }
0x99: {  	s4 =	sld [smem:$0x3FFC];
	_ =	sdelay $0x3  }
0x9a: {  	_ =	strace s4  }
0x9b: {  	s4 =	sld [smem:$0x3FFD];
	_ =	sdelay $0x3  }
0x9c: {  	_ =	strace s4  }
0x9d: {  	_ =	strace $0x8FFFFFFF  }
0x9e: {  	s19 =	sld [smem:$0x3FDB];
	_ =	sdelay $0x1  }
0x9f: {  	s5 =	simm.s32 $_scs_section_size  }
0xa0: {  	s6 =	simm.s32 $_size__tile_overlayer_lowered;
	s7 =	simm.s32 $_tile_overlayer_lowered  }
0xa1: {  	s22 =	simm.s32 $0x1BFF;
	s21 =	sshll.u32 s7, $0x1;
	s4 =	sadd.s32 s5, s19  }
0xa2: {  	s8 =	simm.s32 $0x0;
	s20 =	sshll.u32 s6, $0x1;
	s6 =	sadd.s32 s21, s4  }
0xa3: {  	[timem:s8], [sflag:s22] =	dma.local [hbm:s6], s20  }
0xa4: {  	_ =	swait.ge [sflag:s22], s20  }
0xa5: {  	s5 =	ssub.s32 $0x0, s20;
	[sflag:s22] =	ssyncset.done $0x0  }
0xa6: {  	[sflag:s22] =	ssyncadd.s32 s5;
	_ =	sdelay $0x1  }
0xa7: {  	s23 =	simm.s32 $0x1B8B  }
0xa8: {  	_ =	swait.ge [sflag:s23], $0x1  }
0xa9: {  	[sflag:s23] =	ssyncset.done $0x0  }
0xaa: {  	s25 =	simm.s32 $0x1B8E;
	s24 =	sld [smem:$0x3FFE];
	[sflag:s23] =	ssyncadd.s32 $0xFFFFFFFF  }
0xab: {  	s26 =	simm.s32 $execute0_lowered;
	[smem:$0x3FD2] =	sst s25  }
0xac: {  	s6 =	sshll.u32 s26, $0x1;
	_ =	strace $0x80000046;
	[dreg:$0x1] =	wrdreg $0xFFFFFFFF  }
0xad: {  	s28 =	simm.s32 $_size_execute0_lowered;
	s4 =	sadd.s32 s4, s6;
	[dreg:$0x0] =	wrdreg $0x0  }
0xae: {  	s6 =	sshll.u32 s28, $0x1;
	[dreg:$0x2] =	wrdreg s4  }
0xaf: {  	[dreg:$0x3] =	wrdreg s6  }
0xb0: {  	[dreg:$0x4] =	wrdreg $0xC0  }
0xb1: {  	_ =	task [dreg:s8], $0x5FFFF  }
0xb2: {  	[dreg:$0x1] =	wrdreg $0xFFFFFFFF  }
0xb3: {  	[dreg:$0x0] =	wrdreg $0x60  }
0xb4: {  	[dreg:$0x2] =	wrdreg s24  }
0xb5: {  	[dreg:$0x3] =	wrdreg s17  }
0xb6: {  	[dreg:$0x4] =	wrdreg s16  }
0xb7: {  	[dreg:$0x5] =	wrdreg $0x9  }
0xb8: {  	_ =	task.clear_ibuf [dreg:s8], $0x6FFFF;
	_ =	strace $0x90000046  }
0xb9: {  	s29 =	simm.s32 $0x9;
	_ =	strace $0x8000004F  }
0xba: {  	_ =	swait.ge [sflag:s29], $0x1  }
0xbb: {  	[sflag:s29] =	ssyncadd.s32 $0xFFFFFFFF  }
0xbc: {  	_ =	strace $0x9000004F  }
0xbd: {  	_ =	sfence  }
0xbe: {  	s30 =	sld [smem:$0x0];
	_ =	sdelay $0x2  }
0xbf: {  	s31 =	sshll.u32 s1, $0xD;
	s1 =	sshrl.u32 s1, $0x2  }
0xc0: {  	s3 =	sand.u32 $0x4000, s31;
	s1 =	sadd.s32 s1, s30  }
0xc1: {  	s0 =	sor.u32 s3, s0;
	s1 =	sshll.u32 s1, $0x11  }
0xc2: {  	s0 =	sor.u32 s1, s0  }
0xc3: {  	s0 =	sadd.s32 $0x8F2B, s0  }
0xc4: {  	[sflag:s0] =	ssyncadd.remote.s32 $0x1  }
0xc5: {  	_ =	sfence.sel $0xFFFF  }
0xc6: {  	[dreg:$0x0] =	wrdreg $0xFFFFFFFF;
	(pc) =	sbr.abs _section_cstart, $3  }
0xc7: {  	[dreg:$0x1] =	wrdreg $0xFFFFFFFF  }
0xc8: {  	_ =	task.clear_ibuf [dreg:s8], $0x2FFFF;
	_ =	strace $0x9FFFFFFF  }
0xc9: {  	(tm) =	ssettm $0x7FFFFFFF  }
tec
execute0_lowered:
.L_overlay_start_1:
0x0: {  	(tag) =	ssettag $0x1  }
0x1: {  	s7 =	rddreg [dreg:$0x0]  }
0x2: {  	s3 =	rddreg [dreg:$0x1];
	s1 =	srdreg.scid  }
0x3: {  	s10 =	rddreg [dreg:$0x2];
	s15 =	sand.u32 $0x1, s1  }
0x4: {  	s2 =	simm.s32 $0x0;
	s1 =	stileid.u32;
	s4 =	sshll.u32 s15, $0x4  }
0x5: {  	[smem:$0x7FF] =	sst s2;
	s11 =	sor.u32 s1, s4  }
0x6: {  	s0 =	rddreg [dreg:$0x3];
	_ =	strace $0x80000047;
	s4 =	sshll.u32 s11, $0x6  }
0x7: {  	_ =	strace $0x80000048;
	s3 =	sadd.s32 s3, s4  }
0x8: {  	[tilespmem:s2], [sflag:$0x1] =	stream.linear.gather [hbm4b:s3+s2], $0x100, $0x200038;
	[tilespmem:$0x10200] =	vst v63  }
0x9: {  	_ =	strace $0x90000048  }
0xa: {  	s5 =	simm.s32 $0x100;
	s4 =	sadd.s32 $0x20, s3;
	_ =	strace $0x80000049  }
0xb: {  	[tilespmem:s5], [sflag:$0x2] =	stream.linear.gather [hbm4b:s4+s2], $0x100, $0x200038;
	[tilespmem:$0x10200] =	vst v63  }
0xc: {  	_ =	strace $0x90000049  }
0xd: {  	s6 =	simm.s32 $0x1;
	_ =	strace $0x8000004A  }
0xe: {  	_ =	swait.ge [sflag:s6], $0x100  }
0xf: {  	[sflag:s6] =	ssyncset.done $0x0  }
0x10: {  	[sflag:s6] =	ssyncadd.s32 $0xFFFFFF00  }
0x11: {  	s8 =	simm.s32 $0x200;
	_ =	strace $0x9000004A  }
0x12: {  	s9 =	simm.s32 $0x5;
	s7 =	sadd.s32 $0x1400, s7;
	_ =	strace $0x8000004B  }
0x13: {  	[tilespmem:s8], [sflag:$0x5] =	stream.indirect.gather [hbm4b:s7+s5], $0x80, s2, s5, $0x2000b8;
	[tilespmem:$0x10200] =	vst v63  }
0x14: {  	_ =	swait.ge [sflag:s9], $0x8000  }
0x15: {  	[sflag:s9] =	ssyncset.done $0x0  }
0x16: {  	[sflag:s9] =	ssyncadd.s32 $0xFFFF8000  }
0x17: {  	s11 =	sshll.u32 s11, $0xD;
	_ =	strace $0x9000004B  }
0x18: {  	s10 =	sadd.s32 s10, s11;
	_ =	strace $0x8000004C  }
0x19: {  	[hbm4b:s10+s2] =	stream.linear.scatter [tilespmem:s8], [sflag:$0x3], $0x8000, $0x200038;
	[tilespmem:$0x10200] =	vst v63  }
0x1a: {  	_ =	strace $0x9000004C  }
0x1b: {  	s11 =	simm.s32 $0x2;
	_ =	strace $0x8000004A  }
0x1c: {  	_ =	swait.ge [sflag:s11], $0x100  }
0x1d: {  	[sflag:s11] =	ssyncset.done $0x0  }
0x1e: {  	[sflag:s11] =	ssyncadd.s32 $0xFFFFFF00  }
0x1f: {  	_ =	strace $0x9000004A  }
0x20: {  	s12 =	simm.s32 $0x8200;
	_ =	strace $0x8000004B  }
0x21: {  	[tilespmem:s12], [sflag:$0x5] =	stream.indirect.gather [hbm4b:s7+s5], $0x80, s5, s5, $0x2000b8;
	[tilespmem:$0x10200] =	vst v63  }
0x22: {  	_ =	swait.ge [sflag:s9], $0x8000  }
0x23: {  	[sflag:s9] =	ssyncset.done $0x0  }
0x24: {  	[sflag:s9] =	ssyncadd.s32 $0xFFFF8000  }
0x25: {  	_ =	strace $0x9000004B  }
0x26: {  	s13 =	sadd.s32 $0x1000, s10;
	_ =	strace $0x8000004C  }
0x27: {  	[hbm4b:s13+s2] =	stream.linear.scatter [tilespmem:s12], [sflag:$0x4], $0x8000, $0x200038;
	[tilespmem:$0x10200] =	vst v63  }
0x28: {  	s15 =	ssub.s32 $0x2, s15;
	_ =	strace $0x9000004C  }
0x29: {  	s14 =	simm.s32 $0x3;
	s16 =	sshrl.u32 s15, $0x1;
	_ =	strace $0x8000004D  }
0x2a: {  	s16 =	ssub.s32 s15, s16;
	_ =	swait.ge [sflag:s14], $0x8000  }
0x2b: {  	s16 =	smax.u32 s16, $0x1;
	[sflag:s14] =	ssyncset.done $0x0  }
0x2c: {  	p0 =	sne.s32 s16, $0x1;
	[sflag:s14] =	ssyncadd.s32 $0xFFFF8000  }
.Ltmp0:
0x2d: {  	_ =	strace $0x9000004D;
	(pc) =	sbr.rel @!p0 .LBB2_2-.Ltmp0, $4  }
0x2e: {  	s15 =	simm.s32 $0x4;
	_ =	strace $0x8000004E  }
0x2f: {  	_ =	swait.ge [sflag:s15], $0x8000  }
0x30: {  	[sflag:s15] =	ssyncset.done $0x0  }
0x31: {  	s16 =	sadd.s32 $0xFFFFFFFF, s16;
	[sflag:s15] =	ssyncadd.s32 $0xFFFF8000  }
.LBB2_1:
0x32: {  	p0 =	sne.s32 s16, $0x1;
	s16 =	sadd.s32 $0xFFFFFFFF, s16;
	_ =	strace $0x9000004E  }
0x33: {  	_ =	strace $0x80000048  }
0x34: {  	[tilespmem:s2], [sflag:$0x1] =	stream.linear.gather [hbm4b:s3+s2], $0x100, $0x200038;
	[tilespmem:$0x10200] =	vst v63  }
0x35: {  	_ =	strace $0x90000048  }
0x36: {  	_ =	strace $0x80000049  }
0x37: {  	[tilespmem:s5], [sflag:$0x2] =	stream.linear.gather [hbm4b:s4+s2], $0x100, $0x200038;
	[tilespmem:$0x10200] =	vst v63  }
0x38: {  	_ =	strace $0x90000049  }
0x39: {  	_ =	strace $0x8000004A  }
0x3a: {  	_ =	swait.ge [sflag:s6], $0x100  }
0x3b: {  	[sflag:s6] =	ssyncset.done $0x0  }
0x3c: {  	[sflag:s6] =	ssyncadd.s32 $0xFFFFFF00  }
0x3d: {  	_ =	strace $0x9000004A  }
0x3e: {  	_ =	strace $0x8000004B  }
0x3f: {  	[tilespmem:s8], [sflag:$0x5] =	stream.indirect.gather [hbm4b:s7+s5], $0x80, s2, s5, $0x2000b8;
	[tilespmem:$0x10200] =	vst v63  }
0x40: {  	_ =	swait.ge [sflag:s9], $0x8000  }
0x41: {  	[sflag:s9] =	ssyncset.done $0x0  }
0x42: {  	[sflag:s9] =	ssyncadd.s32 $0xFFFF8000  }
0x43: {  	_ =	strace $0x9000004B  }
0x44: {  	_ =	strace $0x8000004C  }
0x45: {  	[hbm4b:s10+s2] =	stream.linear.scatter [tilespmem:s8], [sflag:$0x3], $0x8000, $0x200038;
	[tilespmem:$0x10200] =	vst v63  }
0x46: {  	_ =	strace $0x9000004C  }
0x47: {  	_ =	strace $0x8000004A  }
0x48: {  	_ =	swait.ge [sflag:s11], $0x100  }
0x49: {  	[sflag:s11] =	ssyncset.done $0x0  }
0x4a: {  	[sflag:s11] =	ssyncadd.s32 $0xFFFFFF00  }
0x4b: {  	_ =	strace $0x9000004A  }
0x4c: {  	_ =	strace $0x8000004B  }
0x4d: {  	[tilespmem:s12], [sflag:$0x5] =	stream.indirect.gather [hbm4b:s7+s5], $0x80, s5, s5, $0x2000b8;
	[tilespmem:$0x10200] =	vst v63  }
0x4e: {  	_ =	swait.ge [sflag:s9], $0x8000  }
0x4f: {  	[sflag:s9] =	ssyncset.done $0x0  }
0x50: {  	[sflag:s9] =	ssyncadd.s32 $0xFFFF8000  }
0x51: {  	_ =	strace $0x9000004B  }
0x52: {  	_ =	strace $0x8000004C  }
0x53: {  	[hbm4b:s13+s2] =	stream.linear.scatter [tilespmem:s12], [sflag:$0x4], $0x8000, $0x200038;
	[tilespmem:$0x10200] =	vst v63  }
0x54: {  	_ =	strace $0x9000004C  }
0x55: {  	_ =	strace $0x8000004D  }
0x56: {  	_ =	swait.ge [sflag:s14], $0x8000  }
0x57: {  	[sflag:s14] =	ssyncset.done $0x0  }
0x58: {  	[sflag:s14] =	ssyncadd.s32 $0xFFFF8000  }
.Ltmp1:
0x59: {  	_ =	strace $0x9000004D;
	(pc) =	sbr.rel @p0 .LBB2_1-.Ltmp1, $4  }
0x5a: {  	_ =	strace $0x8000004E  }
0x5b: {  	_ =	swait.ge [sflag:s15], $0x8000  }
0x5c: {  	[sflag:s15] =	ssyncset.done $0x0  }
0x5d: {  	[sflag:s15] =	ssyncadd.s32 $0xFFFF8000  }
.LBB2_2:
0x5e: {  	_ =	strace $0x9000004E  }
0x5f: {  	_ =	sfence.sel $0x180000  }
0x60: {  	[bflag:$0x0] =	sbarrier.arrive $0xFFFF  }
0x61: {  	p0 =	sne.s32 s1, $0x0;
	_ =	strace $0x90000047  }
0x62: {  	s0 =	sadd.s32 @!p0 $0x100000, s0;
	[bflag:$0x2] =	sbarrier.arrive $0xFFFF  }
0x63: {  	[sflag:s0] =	ssyncadd.tile.s32 @!p0 $0x1;
	_ =	shalt  }
.Lfunc_end2:
_tile_overlayer_lowered:
.L_overlay_start_2:
0x64: {  	(tag) =	ssettag $0x2  }
0x65: {  	s0 =	rddreg [dreg:$0x0];
	s2 =	stileid.u32  }
0x66: {  	s1 =	rddreg [dreg:$0x1];
	p0 =	sne.s32 s2, $0x0  }
0x67: {  	s3 =	rddreg [dreg:$0x2];
	[bflag:$0x3] =	sbarrier.arrive $0xFFFF;
	s2 =	simm.s32 @!p0 $0x1C01  }
0x68: {  	[timem:s3], [sflag:s2] =	dma.local @!p0 [hbm:s0], s1  }
0x69: {  	s0 =	simm.s32 @!p0 $0x1  }
0x6a: {  	_ =	swait.ge @!p0 [sflag:s0], s1  }
0x6b: {  	s1 =	ssub.s32 @!p0 $0x0, s1;
	[sflag:s0] =	ssyncset.done @!p0 $0x0  }
0x6c: {  	[sflag:s0] =	ssyncadd.s32 @!p0 s1  }
0x6d: {  	[bflag:$0x3] =	sbarrier.arrive $0xFFFF  }
0x6e: {  	_ =	shalt  }

</sc_bundles>
